<compile_context>
chip_gen: v7x
topology: tpu7x:2x2x1
jax: 0.10.2.dev20260603
libtpu: 0.0.44.dev20260713+nightly
codegen_flags: <defaults>
</compile_context>

<pallas_src>
import functools

import jax
import jax.numpy as jnp
from jax import lax
from jax.experimental import pallas as pl
from jax.experimental.pallas import tpu as pltpu
from jax.experimental.pallas import tpu_sc as plsc

_D = 256
_H = 4
_HD = 64
_K = 5
_NPROTO = 7
_TN = 2048
_KPAD = 8
_QT = 256

_NEG = -1e30


def _ln_rows(x, g, b):
    m = jnp.mean(x, axis=-1, keepdims=True)
    v = jnp.mean((x - m) ** 2, axis=-1, keepdims=True)
    return (x - m) / jnp.sqrt(v + 1e-5) * g + b


def _rownorm(x):
    return x / (jnp.sqrt(jnp.sum(x * x, axis=-1, keepdims=True)) + 1e-12)


def _qproj_body(q_ref, wa_ref, ba_ref, ga_ref, bga_ref, pr_ref,
                qc_ref, qn_ref, proto_ref):
    x = jnp.dot(q_ref[...], wa_ref[...], preferred_element_type=jnp.float32)
    x = _ln_rows(x + ba_ref[...], ga_ref[...], bga_ref[...])
    x = jnp.maximum(x, 0.0)
    qc_ref[...] = x
    qn = _rownorm(x)
    qn_ref[...] = qn
    pr = pr_ref[...]
    pn = _rownorm(pr)
    pv = lax.dot_general(qn, pn, (((1,), (1,)), ((), ())),
                         preferred_element_type=jnp.float32)
    ci = lax.broadcasted_iota(jnp.int32, pv.shape, 1)
    pv = jnp.where(ci < _NPROTO, pv, _NEG)
    mx = jnp.max(pv, axis=-1, keepdims=True)
    am = jnp.min(jnp.where(pv == mx, ci, _NPROTO), axis=-1, keepdims=True)
    onehot = (ci == am).astype(jnp.float32)
    proto_ref[...] = jnp.dot(onehot, pr, preferred_element_type=jnp.float32)


def _scan_body(keys_ref, wa_ref, ba_ref, ga_ref, bga_ref, qn_ref,
               ov_ref, oi_ref, bv_scr, bi_scr, *, n_real, n_grid, q):
    i = pl.program_id(0)

    @pl.when(i == 0)
    def _init():
        bv_scr[...] = jnp.full((q, _KPAD), _NEG, jnp.float32)
        bi_scr[...] = jnp.zeros((q, _KPAD), jnp.int32)

    x = jnp.dot(keys_ref[...], wa_ref[...], preferred_element_type=jnp.float32)
    x = _ln_rows(x + ba_ref[...], ga_ref[...], bga_ref[...])
    x = jnp.maximum(x, 0.0)
    kn = _rownorm(x)
    sim = lax.dot_general(qn_ref[...], kn, (((1,), (1,)), ((), ())),
                          preferred_element_type=jnp.float32)
    col = lax.broadcasted_iota(jnp.int32, sim.shape, 1)
    gcol = col + i * _TN
    sim = jnp.where(gcol < n_real, sim, _NEG)

    tv, ti = [], []
    work = sim
    for _ in range(_K):
        mx = jnp.max(work, axis=-1, keepdims=True)
        am = jnp.min(jnp.where(work == mx, col, _TN), axis=-1, keepdims=True)
        tv.append(mx)
        ti.append(am + i * _TN)
        work = jnp.where(col == am, _NEG, work)

    pad_v = jnp.full((q, _KPAD - _K), _NEG, jnp.float32)
    pad_i = jnp.zeros((q, _KPAD - _K), jnp.int32)
    cv = jnp.concatenate([bv_scr[...]] + tv + [pad_v], axis=1)
    cidx = jnp.concatenate([bi_scr[...]] + ti + [pad_i], axis=1)
    c16 = lax.broadcasted_iota(jnp.int32, cv.shape, 1)
    nv, ni = [], []
    for _ in range(_K):
        mx = jnp.max(cv, axis=-1, keepdims=True)
        am = jnp.min(jnp.where(cv == mx, c16, 2 * _KPAD), axis=-1,
                     keepdims=True)
        sel = (c16 == am)
        nv.append(mx)
        ni.append(jnp.sum(jnp.where(sel, cidx, 0), axis=-1, keepdims=True))
        cv = jnp.where(sel, _NEG, cv)
    bv_scr[...] = jnp.concatenate(nv + [pad_v], axis=1)
    bi_scr[...] = jnp.concatenate(ni + [pad_i], axis=1)

    @pl.when(i == n_grid - 1)
    def _emit():
        ov_ref[...] = bv_scr[...]
        oi_ref[...] = bi_scr[...]


def _gather_neighbors(keys, values, flat_idx):
    b = flat_idx.shape[0]
    info = plsc.get_sparse_core_info()
    nw = info.num_cores * info.num_subcores
    bpw = b // nw
    mesh = plsc.VectorSubcoreMesh(core_axis_name="c", subcore_axis_name="s")

    @functools.partial(
        pl.kernel, mesh=mesh,
        out_type=(
            jax.ShapeDtypeStruct((b, keys.shape[1]), jnp.float32),
            jax.ShapeDtypeStruct((b, values.shape[1]), jnp.float32),
        ),
        scratch_types=[
            pltpu.VMEM((bpw,), jnp.int32),
            pltpu.VMEM((bpw, keys.shape[1]), jnp.float32),
            pltpu.VMEM((bpw, values.shape[1]), jnp.float32),
            pltpu.SemaphoreType.DMA,
            pltpu.SemaphoreType.DMA,
        ],
    )
    def _gk(keys_hbm, values_hbm, idx_hbm, outk_hbm, outv_hbm,
            idx_v, rk, rv, sem_k, sem_v):
        wid = lax.axis_index("s") * info.num_cores + lax.axis_index("c")
        base = wid * bpw
        pltpu.sync_copy(idx_hbm.at[pl.ds(base, bpw)], idx_v)
        ck = pltpu.async_copy(keys_hbm.at[idx_v], rk, sem_k)
        cvv = pltpu.async_copy(values_hbm.at[idx_v], rv, sem_v)
        ck.wait()
        cvv.wait()
        pltpu.sync_copy(rk, outk_hbm.at[pl.ds(base, bpw)])
        pltpu.sync_copy(rv, outv_hbm.at[pl.ds(base, bpw)])

    return _gk(keys, values, flat_idx)


def _tail_body(qc_ref, proto_ref, kg_ref, vg_ref,
               wa_ref, ba_ref, ga_ref, bga_ref,
               wm_ref, bm_ref, gm_ref, bgm_ref,
               wq_ref, bq_ref, wk_ref, bk_ref, wv_ref, bv_ref,
               wo_ref, bo_ref, g1_ref, b1_ref,
               wf1_ref, bf1_ref, wf2_ref, bf2_ref, g2_ref, b2_ref,
               out_ref):
    qc = qc_ref[...]
    proto = proto_ref[...]
    wk = wk_ref[...]
    bk = bk_ref[...]
    wv = wv_ref[...]
    bv = bv_ref[...]

    qh = jnp.dot(qc, wq_ref[...], preferred_element_type=jnp.float32) + bq_ref[...]
    kh_p = jnp.dot(proto, wk, preferred_element_type=jnp.float32) + bk
    vh_p = jnp.dot(proto, wv, preferred_element_type=jnp.float32) + bv

    kh_n, vh_n = [], []
    for j in range(_K):
        ka = jnp.dot(kg_ref[j], wa_ref[...],
                     preferred_element_type=jnp.float32)
        ka = jnp.maximum(_ln_rows(ka + ba_ref[...], ga_ref[...], bga_ref[...]), 0.0)
        vm = jnp.dot(vg_ref[j], wm_ref[...],
                     preferred_element_type=jnp.float32)
        vm = jnp.maximum(_ln_rows(vm + bm_ref[...], gm_ref[...], bgm_ref[...]), 0.0)
        kh_n.append(jnp.dot(ka, wk, preferred_element_type=jnp.float32) + bk)
        vh_n.append(jnp.dot(vm, wv, preferred_element_type=jnp.float32) + bv)

    ao_cols = []
    for h in range(_H):
        sl = slice(h * _HD, (h + 1) * _HD)
        qh_h = qh[:, sl]
        s_cols = [jnp.sum(qh_h * kh_p[:, sl], axis=-1, keepdims=True)]
        for j in range(_K):
            s_cols.append(jnp.sum(qh_h * kh_n[j][:, sl], axis=-1,
                                  keepdims=True))
        s = jnp.concatenate(s_cols, axis=1) * (1.0 / 8.0)
        s = s - jnp.max(s, axis=-1, keepdims=True)
        e = jnp.exp(s)
        att = e / jnp.sum(e, axis=-1, keepdims=True)
        ao_h = att[:, 0:1] * vh_p[:, sl]
        for j in range(_K):
            ao_h = ao_h + att[:, j + 1:j + 2] * vh_n[j][:, sl]
        ao_cols.append(ao_h)
    ao = jnp.concatenate(ao_cols, axis=1)
    ao = jnp.dot(ao, wo_ref[...], preferred_element_type=jnp.float32) + bo_ref[...]
    out1 = _ln_rows(ao + proto, g1_ref[...], b1_ref[...])
    ffn = jnp.maximum(
        jnp.dot(out1, wf1_ref[...], preferred_element_type=jnp.float32)
        + bf1_ref[...], 0.0)
    ffn = jnp.dot(ffn, wf2_ref[...], preferred_element_type=jnp.float32) + bf2_ref[...]
    out_ref[...] = _ln_rows(ffn + out1, g2_ref[...], b2_ref[...]) + proto


def _row(x):
    return x.reshape(1, -1)


def kernel(queries, keys, values, params):
    p = params
    q = queries.shape[0]
    n = keys.shape[0]
    d_avail = keys.shape[1]
    d_miss = values.shape[1]
    n_grid = -(-n // _TN)

    protos_pad = jnp.concatenate(
        [p['protos'], jnp.zeros((_KPAD - _NPROTO, _D), jnp.float32)], axis=0)

    qc, qn, proto = pl.pallas_call(
        _qproj_body,
        out_shape=(
            jax.ShapeDtypeStruct((q, _D), jnp.float32),
            jax.ShapeDtypeStruct((q, _D), jnp.float32),
            jax.ShapeDtypeStruct((q, _D), jnp.float32),
        ),
    )(queries, p['Wa'], _row(p['ba']), _row(p['ga']), _row(p['bga']),
      protos_pad)

    scan = pl.pallas_call(
        functools.partial(_scan_body, n_real=n, n_grid=n_grid, q=q),
        grid=(n_grid,),
        in_specs=[
            pl.BlockSpec((_TN, d_avail), lambda i: (i, 0)),
            pl.BlockSpec((d_avail, _D), lambda i: (0, 0)),
            pl.BlockSpec((1, _D), lambda i: (0, 0)),
            pl.BlockSpec((1, _D), lambda i: (0, 0)),
            pl.BlockSpec((1, _D), lambda i: (0, 0)),
            pl.BlockSpec((q, _D), lambda i: (0, 0)),
        ],
        out_specs=(
            pl.BlockSpec((q, _KPAD), lambda i: (0, 0)),
            pl.BlockSpec((q, _KPAD), lambda i: (0, 0)),
        ),
        out_shape=(
            jax.ShapeDtypeStruct((q, _KPAD), jnp.float32),
            jax.ShapeDtypeStruct((q, _KPAD), jnp.int32),
        ),
        scratch_shapes=[
            pltpu.VMEM((q, _KPAD), jnp.float32),
            pltpu.VMEM((q, _KPAD), jnp.int32),
        ],
    )(keys, p['Wa'], _row(p['ba']), _row(p['ga']), _row(p['bga']), qn)
    top_idx = scan[1][:, :_K]

    flat_idx = top_idx.T.reshape(-1)
    kg, vg = _gather_neighbors(keys, values, flat_idx)
    kg3 = kg.reshape(_K, q, d_avail)
    vg3 = vg.reshape(_K, q, d_miss)

    full = lambda shp: pl.BlockSpec(shp, lambda t: (0, 0))
    out = pl.pallas_call(
        _tail_body,
        grid=(q // _QT,),
        in_specs=[
            pl.BlockSpec((_QT, _D), lambda t: (t, 0)),
            pl.BlockSpec((_QT, _D), lambda t: (t, 0)),
            pl.BlockSpec((_K, _QT, d_avail), lambda t: (0, t, 0)),
            pl.BlockSpec((_K, _QT, d_miss), lambda t: (0, t, 0)),
            full((d_avail, _D)), full((1, _D)), full((1, _D)), full((1, _D)),
            full((d_miss, _D)), full((1, _D)), full((1, _D)), full((1, _D)),
            full((_D, _D)), full((1, _D)), full((_D, _D)), full((1, _D)),
            full((_D, _D)), full((1, _D)),
            full((_D, _D)), full((1, _D)), full((1, _D)), full((1, _D)),
            full((_D, 4 * _D)), full((1, 4 * _D)),
            full((4 * _D, _D)), full((1, _D)), full((1, _D)), full((1, _D)),
        ],
        out_specs=pl.BlockSpec((_QT, _D), lambda t: (t, 0)),
        out_shape=jax.ShapeDtypeStruct((q, _D), jnp.float32),
    )(qc, proto, kg3, vg3,
      p['Wa'], _row(p['ba']), _row(p['ga']), _row(p['bga']),
      p['Wm'], _row(p['bm']), _row(p['gm']), _row(p['bgm']),
      p['Wq'], _row(p['bq']), p['Wk'], _row(p['bk']),
      p['Wv'], _row(p['bv']),
      p['Wo'], _row(p['bo']), _row(p['g1']), _row(p['b1']),
      p['Wf1'], _row(p['bf1']), p['Wf2'], _row(p['bf2']),
      _row(p['g2']), _row(p['b2']))
    return out

# --- scband reference (transcript-rebuilt; emitter-appended) ---
"""Pipeline reference for scband-prototype-emotion-model-12000138625292 (READ-ONLY COPY).

The authoritative reference and input builder live on the scoring server;
editing this copy changes nothing except your own understanding.
"""

import jax, jax.numpy as jnp
import numpy as np

D = 256
H = 4
K_NN = 5
N_PROTO = 7

def _ln(x, g, b):
    m = jnp.mean(x, axis=-1, keepdims=True)
    v = jnp.mean((x - m) ** 2, axis=-1, keepdims=True)
    return (x - m) / jnp.sqrt(v + 1e-5) * g + b

def _norm(x):
    return x / (jnp.linalg.norm(x, axis=-1, keepdims=True) + 1e-12)

def setup_inputs(seed: int = 0) -> dict:
    key = jax.random.key(seed)
    ks = jax.random.split(key, 16)
    Q, N = 1024, 100000
    d_avail, d_miss = 512, 256
    queries = jax.random.normal(ks[0], (Q, d_avail), dtype=jnp.float32)
    keys = jax.random.normal(ks[1], (N, d_avail), dtype=jnp.float32)
    values = jax.random.normal(ks[2], (N, d_miss), dtype=jnp.float32)
    def lin(k, i, o):
        return jax.random.normal(k, (i, o), dtype=jnp.float32) / np.sqrt(i)
    params = {
        'Wa': lin(ks[3], d_avail, D), 'ba': jnp.zeros(D), 'ga': jnp.ones(D), 'bga': jnp.zeros(D),
        'Wm': lin(ks[4], d_miss, D), 'bm': jnp.zeros(D), 'gm': jnp.ones(D), 'bgm': jnp.zeros(D),
        'protos': jax.random.normal(ks[5], (N_PROTO, D), dtype=jnp.float32),
        'Wq': lin(ks[6], D, D), 'bq': jnp.zeros(D),
        'Wk': lin(ks[7], D, D), 'bk': jnp.zeros(D),
        'Wv': lin(ks[8], D, D), 'bv': jnp.zeros(D),
        'Wo': lin(ks[9], D, D), 'bo': jnp.zeros(D),
        'g1': jnp.ones(D), 'b1': jnp.zeros(D),
        'Wf1': lin(ks[10], D, 4 * D), 'bf1': jnp.zeros(4 * D),
        'Wf2': lin(ks[11], 4 * D, D), 'bf2': jnp.zeros(D),
        'g2': jnp.ones(D), 'b2': jnp.zeros(D),
    }
    return {'queries': queries, 'keys': keys, 'values': values, 'params': params}

def _forward(queries, keys, values, p):
    hd = D // H
    # modality projections (Linear + LayerNorm + ReLU), as in PNFCModule
    q_c = jax.nn.relu(_ln(queries @ p['Wa'] + p['ba'], p['ga'], p['bga']))
    k_c = jax.nn.relu(_ln(keys @ p['Wa'] + p['ba'], p['ga'], p['bga']))
    v_c = jax.nn.relu(_ln(values @ p['Wm'] + p['bm'], p['gm'], p['bgm']))
    # cosine-similarity kNN search over candidate bank
    qn = _norm(q_c)
    kn = _norm(k_c)
    sim = qn @ kn.T
    top_vals, top_idx = jax.lax.top_k(sim, K_NN)
    nb_a = jnp.take(k_c, top_idx, axis=0)  # [Q, k, D]
    nb_m = jnp.take(v_c, top_idx, axis=0)  # [Q, k, D]
    # nearest prototype per query
    pn = _norm(p['protos'])
    pidx = jnp.argmax(qn @ pn.T, axis=-1)
    proto = jnp.take(p['protos'], pidx, axis=0)  # [Q, D]
    # cross attention: Q = available feat; K = [proto; avail neighbors]; V = [proto; missing neighbors]
    Qin = q_c[:, None, :]
    Kin = jnp.concatenate([proto[:, None, :], nb_a], axis=1)
    Vin = jnp.concatenate([proto[:, None, :], nb_m], axis=1)
    def heads(x, W, b):
        y = x @ W + b
        B, L, _ = y.shape
        return y.reshape(B, L, H, hd).transpose(0, 2, 1, 3)
    qh = heads(Qin, p['Wq'], p['bq'])
    kh = heads(Kin, p['Wk'], p['bk'])
    vh = heads(Vin, p['Wv'], p['bv'])
    att = jax.nn.softmax(jnp.einsum('bhqe,bhke->bhqk', qh, kh) / np.sqrt(hd), axis=-1)
    ao = jnp.einsum('bhqk,bhke->bhqe', att, vh)
    ao = ao.transpose(0, 2, 1, 3).reshape(-1, 1, D)
    ao = (ao @ p['Wo'] + p['bo'])[:, 0, :]
    out = _ln(ao + proto, p['g1'], p['b1'])
    ffn = jax.nn.relu(out @ p['Wf1'] + p['bf1']) @ p['Wf2'] + p['bf2']
    out = _ln(ffn + out, p['g2'], p['b2']) + proto
    return out

def reference(queries, keys, values, params):
    return _forward(queries, keys, values, params)

if __name__ == "__main__":
    import jax
    _d = setup_inputs()
    print(jax.jit(kernel)(*tuple(_d.values())))

</pallas_src>

<mosaic_0001>
#map = affine_map<(d0, d1) -> (0, 0)>
#map1 = affine_map<(d0, d1) -> (0)>
module attributes {stable_mosaic.version = 14 : i64} {
  func.func @_gk(%arg0: i32, %arg1: i32, %arg2: memref<100000x512xf32, #tpu.memory_space<hbm>>, %arg3: memref<100000x256xf32, #tpu.memory_space<hbm>>, %arg4: memref<5120xi32, #tpu.memory_space<hbm>>, %arg5: memref<5120x512xf32, #tpu.memory_space<hbm>>, %arg6: memref<5120x256xf32, #tpu.memory_space<hbm>>, %arg7: memref<160xi32, #tpu.memory_space<vmem>>, %arg8: memref<160x512xf32, #tpu.memory_space<vmem>>, %arg9: memref<160x256xf32, #tpu.memory_space<vmem>>, %arg10: memref<!tpu.dma_semaphore, #tpu.memory_space<semaphore_mem>>, %arg11: memref<!tpu.dma_semaphore, #tpu.memory_space<semaphore_mem>>) attributes {dimension_semantics = [#tpu.dimension_semantics<core_parallel>, #tpu.dimension_semantics<subcore_parallel>], iteration_bounds = array<i64: 2, 16>, scalar_prefetch = 0 : i64, scratch_operands = 5 : i64, tpu.core_type = #tpu.core_type<sc_vector_subcore>, window_params = [{transform_indices = #map}, {transform_indices = #map}, {transform_indices = #map1}, {transform_indices = #map}, {transform_indices = #map}]} {
    %mul3A = arith.constant 2 : i32
    %mul3A_0 = arith.muli %arg1, %mul3A : i32
    %add3A = arith.addi %mul3A_0, %arg0 : i32
    %mul3A_1 = arith.constant 160 : i32
    %mul3A_2 = arith.muli %add3A, %mul3A_1 : i32
    "tpu.region"() ({
      %run_scoped3A = tpu.sem_alloc : memref<!tpu.dma_semaphore, #tpu.memory_space<semaphore_mem>>
      %dma_start3A_13 = tpu.memref_slice %arg4[%mul3A_2] : memref<5120xi32, #tpu.memory_space<hbm>> -> memref<160xi32, #tpu.memory_space<hbm>>
      %dma_start3A_14 = tpu.memref_slice %arg4[%mul3A_2] : memref<5120xi32, #tpu.memory_space<hbm>> -> memref<160xi32, #tpu.memory_space<hbm>>
      tpu.enqueue_dma source(%dma_start3A_14 : memref<160xi32, #tpu.memory_space<hbm>>) target(%arg7 : memref<160xi32, #tpu.memory_space<vmem>>) target_semaphore(%run_scoped3A : memref<!tpu.dma_semaphore, #tpu.memory_space<semaphore_mem>>)
      %dma_wait3A_15 = tpu.memref_slice %arg4[%mul3A_2] : memref<5120xi32, #tpu.memory_space<hbm>> -> memref<160xi32, #tpu.memory_space<hbm>>
      %dma_wait3A_16 = tpu.memref_slice %arg4[%mul3A_2] : memref<5120xi32, #tpu.memory_space<hbm>> -> memref<160xi32, #tpu.memory_space<hbm>>
      tpu.wait_dma2 semaphore(%run_scoped3A : memref<!tpu.dma_semaphore, #tpu.memory_space<semaphore_mem>>) src(%dma_wait3A_16 : memref<160xi32, #tpu.memory_space<hbm>>) dst(%arg7 : memref<160xi32, #tpu.memory_space<vmem>>)
      tpu.yield
    }) : () -> ()
    %dma_start3A = arith.constant 0 : i32
    %dma_start3A_3 = arith.constant 0 : i32
    %dma_start3A_4 = tpu.memref_slice %arg2[%dma_start3A, %dma_start3A_3] : memref<100000x512xf32, #tpu.memory_space<hbm>> -> memref<100000x512xf32, #tpu.memory_space<hbm>>
    tpu.enqueue_indirect_dma source(%dma_start3A_4 : memref<100000x512xf32, #tpu.memory_space<hbm>>) target(%arg8 : memref<160x512xf32, #tpu.memory_space<vmem>>) offsets(%arg7 : memref<160xi32, #tpu.memory_space<vmem>>) semaphore(%arg10 : memref<!tpu.dma_semaphore, #tpu.memory_space<semaphore_mem>>)
    %dma_start3A_5 = arith.constant 0 : i32
    %dma_start3A_6 = arith.constant 0 : i32
    %dma_start3A_7 = tpu.memref_slice %arg3[%dma_start3A_5, %dma_start3A_6] : memref<100000x256xf32, #tpu.memory_space<hbm>> -> memref<100000x256xf32, #tpu.memory_space<hbm>>
    tpu.enqueue_indirect_dma source(%dma_start3A_7 : memref<100000x256xf32, #tpu.memory_space<hbm>>) target(%arg9 : memref<160x256xf32, #tpu.memory_space<vmem>>) offsets(%arg7 : memref<160xi32, #tpu.memory_space<vmem>>) semaphore(%arg11 : memref<!tpu.dma_semaphore, #tpu.memory_space<semaphore_mem>>)
    %dma_wait3A = arith.constant 0 : i32
    %dma_wait3A_8 = arith.constant 0 : i32
    %dma_wait3A_9 = tpu.memref_slice %arg2[%dma_wait3A, %dma_wait3A_8] : memref<100000x512xf32, #tpu.memory_space<hbm>> -> memref<100000x512xf32, #tpu.memory_space<hbm>>
    tpu.wait_indirect_dma semaphore(%arg10 : memref<!tpu.dma_semaphore, #tpu.memory_space<semaphore_mem>>) src(%dma_wait3A_9 : memref<100000x512xf32, #tpu.memory_space<hbm>>) dst(%arg8 : memref<160x512xf32, #tpu.memory_space<vmem>>)
    %dma_wait3A_10 = arith.constant 0 : i32
    %dma_wait3A_11 = arith.constant 0 : i32
    %dma_wait3A_12 = tpu.memref_slice %arg3[%dma_wait3A_10, %dma_wait3A_11] : memref<100000x256xf32, #tpu.memory_space<hbm>> -> memref<100000x256xf32, #tpu.memory_space<hbm>>
    tpu.wait_indirect_dma semaphore(%arg11 : memref<!tpu.dma_semaphore, #tpu.memory_space<semaphore_mem>>) src(%dma_wait3A_12 : memref<100000x256xf32, #tpu.memory_space<hbm>>) dst(%arg9 : memref<160x256xf32, #tpu.memory_space<vmem>>)
    "tpu.region"() ({
      %run_scoped3A = tpu.sem_alloc : memref<!tpu.dma_semaphore, #tpu.memory_space<semaphore_mem>>
      %dma_start3A_13 = arith.constant 0 : i32
      %dma_start3A_14 = tpu.memref_slice %arg5[%mul3A_2, %dma_start3A_13] : memref<5120x512xf32, #tpu.memory_space<hbm>> -> memref<160x512xf32, #tpu.memory_space<hbm>>
      %dma_start3A_15 = arith.constant 0 : i32
      %dma_start3A_16 = tpu.memref_slice %arg5[%mul3A_2, %dma_start3A_15] : memref<5120x512xf32, #tpu.memory_space<hbm>> -> memref<160x512xf32, #tpu.memory_space<hbm>>
      tpu.enqueue_dma source(%arg8 : memref<160x512xf32, #tpu.memory_space<vmem>>) target(%dma_start3A_16 : memref<160x512xf32, #tpu.memory_space<hbm>>) target_semaphore(%run_scoped3A : memref<!tpu.dma_semaphore, #tpu.memory_space<semaphore_mem>>)
      %dma_wait3A_17 = arith.constant 0 : i32
      %dma_wait3A_18 = tpu.memref_slice %arg5[%mul3A_2, %dma_wait3A_17] : memref<5120x512xf32, #tpu.memory_space<hbm>> -> memref<160x512xf32, #tpu.memory_space<hbm>>
      %dma_wait3A_19 = arith.constant 0 : i32
      %dma_wait3A_20 = tpu.memref_slice %arg5[%mul3A_2, %dma_wait3A_19] : memref<5120x512xf32, #tpu.memory_space<hbm>> -> memref<160x512xf32, #tpu.memory_space<hbm>>
      tpu.wait_dma2 semaphore(%run_scoped3A : memref<!tpu.dma_semaphore, #tpu.memory_space<semaphore_mem>>) src(%arg8 : memref<160x512xf32, #tpu.memory_space<vmem>>) dst(%dma_wait3A_20 : memref<160x512xf32, #tpu.memory_space<hbm>>)
      tpu.yield
    }) : () -> ()
    "tpu.region"() ({
      %run_scoped3A = tpu.sem_alloc : memref<!tpu.dma_semaphore, #tpu.memory_space<semaphore_mem>>
      %dma_start3A_13 = arith.constant 0 : i32
      %dma_start3A_14 = tpu.memref_slice %arg6[%mul3A_2, %dma_start3A_13] : memref<5120x256xf32, #tpu.memory_space<hbm>> -> memref<160x256xf32, #tpu.memory_space<hbm>>
      %dma_start3A_15 = arith.constant 0 : i32
      %dma_start3A_16 = tpu.memref_slice %arg6[%mul3A_2, %dma_start3A_15] : memref<5120x256xf32, #tpu.memory_space<hbm>> -> memref<160x256xf32, #tpu.memory_space<hbm>>
      tpu.enqueue_dma source(%arg9 : memref<160x256xf32, #tpu.memory_space<vmem>>) target(%dma_start3A_16 : memref<160x256xf32, #tpu.memory_space<hbm>>) target_semaphore(%run_scoped3A : memref<!tpu.dma_semaphore, #tpu.memory_space<semaphore_mem>>)
      %dma_wait3A_17 = arith.constant 0 : i32
      %dma_wait3A_18 = tpu.memref_slice %arg6[%mul3A_2, %dma_wait3A_17] : memref<5120x256xf32, #tpu.memory_space<hbm>> -> memref<160x256xf32, #tpu.memory_space<hbm>>
      %dma_wait3A_19 = arith.constant 0 : i32
      %dma_wait3A_20 = tpu.memref_slice %arg6[%mul3A_2, %dma_wait3A_19] : memref<5120x256xf32, #tpu.memory_space<hbm>> -> memref<160x256xf32, #tpu.memory_space<hbm>>
      tpu.wait_dma2 semaphore(%run_scoped3A : memref<!tpu.dma_semaphore, #tpu.memory_space<semaphore_mem>>) src(%arg9 : memref<160x256xf32, #tpu.memory_space<vmem>>) dst(%dma_wait3A_20 : memref<160x256xf32, #tpu.memory_space<hbm>>)
      tpu.yield
    }) : () -> ()
    return
  }
}

module attributes {stable_mosaic.version = 14 : i64} {
  func.func @_qproj_body(%arg0: memref<1024x512xf32, #tpu.memory_space<vmem>>, %arg1: memref<512x256xf32, #tpu.memory_space<vmem>>, %arg2: memref<1x256xf32, #tpu.memory_space<vmem>>, %arg3: memref<1x256xf32, #tpu.memory_space<vmem>>, %arg4: memref<1x256xf32, #tpu.memory_space<vmem>>, %arg5: memref<8x256xf32, #tpu.memory_space<vmem>>, %arg6: memref<1024x256xf32, #tpu.memory_space<vmem>>, %arg7: memref<1024x256xf32, #tpu.memory_space<vmem>>, %arg8: memref<1024x256xf32, #tpu.memory_space<vmem>>) attributes {dimension_semantics = [], scalar_prefetch = 0 : i64, scratch_operands = 0 : i64, tpu.core_type = #tpu.core_type<tc>} {
    %get3A = arith.constant 0 : index
    %get3A_0 = arith.constant 0 : index
    %get3A_1 = vector.load %arg0[%get3A, %get3A_0] : memref<1024x512xf32, #tpu.memory_space<vmem>>, vector<1024x512xf32>
    %get3A_2 = arith.constant 0 : index
    %get3A_3 = arith.constant 0 : index
    %get3A_4 = vector.load %arg1[%get3A_2, %get3A_3] : memref<512x256xf32, #tpu.memory_space<vmem>>, vector<512x256xf32>
    %dot_general3A = arith.constant dense<0.000000e+00> : vector<1024x256xf32>
    %dot_general3A_5 = tpu.matmul %get3A_1, %get3A_4, %dot_general3A {dimension_numbers = #tpu.dot_dimension_numbers<[1], [0], [0], [1], [0, 0, 1, 1], [], []>, transpose_lhs_hint = false} : vector<1024x512xf32>, vector<512x256xf32>, vector<1024x256xf32> -> vector<1024x256xf32>
    %get3A_6 = arith.constant 0 : index
    %get3A_7 = arith.constant 0 : index
    %get3A_8 = vector.load %arg2[%get3A_6, %get3A_7] : memref<1x256xf32, #tpu.memory_space<vmem>>, vector<1x256xf32>
    %add3A = vector.broadcast %get3A_8 : vector<1x256xf32> to vector<1024x256xf32>
    %add3A_9 = arith.addf %dot_general3A_5, %add3A : vector<1024x256xf32>
    %get3A_10 = arith.constant 0 : index
    %get3A_11 = arith.constant 0 : index
    %get3A_12 = vector.load %arg3[%get3A_10, %get3A_11] : memref<1x256xf32, #tpu.memory_space<vmem>>, vector<1x256xf32>
    %get3A_13 = arith.constant 0 : index
    %get3A_14 = arith.constant 0 : index
    %get3A_15 = vector.load %arg4[%get3A_13, %get3A_14] : memref<1x256xf32, #tpu.memory_space<vmem>>, vector<1x256xf32>
    %reduce_sum3A = arith.constant dense<0.000000e+00> : vector<1024xf32>
    %reduce_sum3A_16 = vector.multi_reduction <add>, %add3A_9, %reduce_sum3A [1] : vector<1024x256xf32> to vector<1024xf32>
    %broadcast_in_dim3A = vector.shape_cast %reduce_sum3A_16 : vector<1024xf32> to vector<1024x1xf32>
    %div3A = arith.constant 2.560000e+02 : f32
    %div3A_17 = vector.broadcast %div3A : f32 to vector<1024x1xf32>
    %div3A_18 = arith.divf %broadcast_in_dim3A, %div3A_17 : vector<1024x1xf32>
    %sub3A = vector.broadcast %div3A_18 : vector<1024x1xf32> to vector<1024x256xf32>
    %sub3A_19 = arith.subf %add3A_9, %sub3A : vector<1024x256xf32>
    %integer_pow3A = arith.mulf %sub3A_19, %sub3A_19 : vector<1024x256xf32>
    %reduce_sum3A_20 = arith.constant dense<0.000000e+00> : vector<1024xf32>
    %reduce_sum3A_21 = vector.multi_reduction <add>, %integer_pow3A, %reduce_sum3A_20 [1] : vector<1024x256xf32> to vector<1024xf32>
    %broadcast_in_dim3A_22 = vector.shape_cast %reduce_sum3A_21 : vector<1024xf32> to vector<1024x1xf32>
    %div3A_23 = arith.constant 2.560000e+02 : f32
    %div3A_24 = vector.broadcast %div3A_23 : f32 to vector<1024x1xf32>
    %div3A_25 = arith.divf %broadcast_in_dim3A_22, %div3A_24 : vector<1024x1xf32>
    %sub3A_26 = vector.broadcast %div3A_18 : vector<1024x1xf32> to vector<1024x256xf32>
    %sub3A_27 = arith.subf %add3A_9, %sub3A_26 : vector<1024x256xf32>
    %add3A_28 = arith.constant 9.99999974E-6 : f32
    %add3A_29 = vector.broadcast %add3A_28 : f32 to vector<1024x1xf32>
    %add3A_30 = arith.addf %div3A_25, %add3A_29 : vector<1024x1xf32>
    %sqrt3A = math.sqrt %add3A_30 : vector<1024x1xf32>
    %div3A_31 = vector.broadcast %sqrt3A : vector<1024x1xf32> to vector<1024x256xf32>
    %div3A_32 = arith.divf %sub3A_27, %div3A_31 : vector<1024x256xf32>
    %mul3A = vector.broadcast %get3A_12 : vector<1x256xf32> to vector<1024x256xf32>
    %mul3A_33 = arith.mulf %div3A_32, %mul3A : vector<1024x256xf32>
    %add3A_34 = vector.broadcast %get3A_15 : vector<1x256xf32> to vector<1024x256xf32>
    %add3A_35 = arith.addf %mul3A_33, %add3A_34 : vector<1024x256xf32>
    %max3A = arith.constant 0.000000e+00 : f32
    %max3A_36 = vector.broadcast %max3A : f32 to vector<1024x256xf32>
    %max3A_37 = arith.maximumf %add3A_35, %max3A_36 : vector<1024x256xf32>
    %swap3A = arith.constant 0 : index
    %swap3A_38 = arith.constant 0 : index
    %swap3A_39 = vector.load %arg6[%swap3A, %swap3A_38] : memref<1024x256xf32, #tpu.memory_space<vmem>>, vector<1024x256xf32>
    tpu.vector_store %arg6[%swap3A, %swap3A_38], %max3A_37 {strides = array<i32>} : memref<1024x256xf32, #tpu.memory_space<vmem>>, vector<1024x256xf32>,
    %mul3A_40 = arith.mulf %max3A_37, %max3A_37 : vector<1024x256xf32>
    %reduce_sum3A_41 = arith.constant dense<0.000000e+00> : vector<1024xf32>
    %reduce_sum3A_42 = vector.multi_reduction <add>, %mul3A_40, %reduce_sum3A_41 [1] : vector<1024x256xf32> to vector<1024xf32>
    %broadcast_in_dim3A_43 = vector.shape_cast %reduce_sum3A_42 : vector<1024xf32> to vector<1024x1xf32>
    %sqrt3A_44 = math.sqrt %broadcast_in_dim3A_43 : vector<1024x1xf32>
    %add3A_45 = arith.constant 9.99999996E-13 : f32
    %add3A_46 = vector.broadcast %add3A_45 : f32 to vector<1024x1xf32>
    %add3A_47 = arith.addf %sqrt3A_44, %add3A_46 : vector<1024x1xf32>
    %div3A_48 = vector.broadcast %add3A_47 : vector<1024x1xf32> to vector<1024x256xf32>
    %div3A_49 = arith.divf %max3A_37, %div3A_48 : vector<1024x256xf32>
    %swap3A_50 = arith.constant 0 : index
    %swap3A_51 = arith.constant 0 : index
    %swap3A_52 = vector.load %arg7[%swap3A_50, %swap3A_51] : memref<1024x256xf32, #tpu.memory_space<vmem>>, vector<1024x256xf32>
    tpu.vector_store %arg7[%swap3A_50, %swap3A_51], %div3A_49 {strides = array<i32>} : memref<1024x256xf32, #tpu.memory_space<vmem>>, vector<1024x256xf32>,
    %get3A_53 = arith.constant 0 : index
    %get3A_54 = arith.constant 0 : index
    %get3A_55 = vector.load %arg5[%get3A_53, %get3A_54] : memref<8x256xf32, #tpu.memory_space<vmem>>, vector<8x256xf32>
    %mul3A_56 = arith.mulf %get3A_55, %get3A_55 : vector<8x256xf32>
    %reduce_sum3A_57 = arith.constant dense<0.000000e+00> : vector<8xf32>
    %reduce_sum3A_58 = vector.multi_reduction <add>, %mul3A_56, %reduce_sum3A_57 [1] : vector<8x256xf32> to vector<8xf32>
    %broadcast_in_dim3A_59 = vector.shape_cast %reduce_sum3A_58 : vector<8xf32> to vector<8x1xf32>
    %sqrt3A_60 = math.sqrt %broadcast_in_dim3A_59 : vector<8x1xf32>
    %add3A_61 = arith.constant 9.99999996E-13 : f32
    %add3A_62 = vector.broadcast %add3A_61 : f32 to vector<8x1xf32>
    %add3A_63 = arith.addf %sqrt3A_60, %add3A_62 : vector<8x1xf32>
    %div3A_64 = vector.broadcast %add3A_63 : vector<8x1xf32> to vector<8x256xf32>
    %div3A_65 = arith.divf %get3A_55, %div3A_64 : vector<8x256xf32>
    %dot_general3A_66 = arith.constant dense<0.000000e+00> : vector<1024x8xf32>
    %dot_general3A_67 = tpu.matmul %div3A_49, %div3A_65, %dot_general3A_66 {dimension_numbers = #tpu.dot_dimension_numbers<[1], [1], [0], [0], [0, 0, 1, 0], [], []>, transpose_lhs_hint = false} : vector<1024x256xf32>, vector<8x256xf32>, vector<1024x8xf32> -> vector<1024x8xf32>
    %iota3A = tpu.iota {dimensions = array<i32: 1>} : vector<1024x8xi32>
    %lt3A = arith.constant 7 : i32
    %lt3A_68 = vector.broadcast %lt3A : i32 to vector<1024x8xi32>
    %lt3A_69 = arith.cmpi slt, %iota3A, %lt3A_68 : vector<1024x8xi32>
    %jit3A = arith.constant -1.000000e+30 : f32
    %broadcast_in_dim3A_70 = vector.broadcast %jit3A : f32 to vector<1024x8xf32>
    %select_n3A = arith.select %lt3A_69, %dot_general3A_67, %broadcast_in_dim3A_70 : vector<1024x8xi1>, vector<1024x8xf32>
    %reduce_max3A = arith.constant dense<0xFF800000> : vector<1024xf32>
    %reduce_max3A_71 = vector.multi_reduction <maximumf>, %select_n3A, %reduce_max3A [1] : vector<1024x8xf32> to vector<1024xf32>
    %broadcast_in_dim3A_72 = vector.shape_cast %reduce_max3A_71 : vector<1024xf32> to vector<1024x1xf32>
    %eq3A = vector.broadcast %broadcast_in_dim3A_72 : vector<1024x1xf32> to vector<1024x8xf32>
    %eq3A_73 = arith.cmpf oeq, %select_n3A, %eq3A : vector<1024x8xf32>
    %jit3A_74 = arith.constant 7 : i32
    %broadcast_in_dim3A_75 = vector.broadcast %jit3A_74 : i32 to vector<1024x8xi32>
    %select_n3A_76 = arith.select %eq3A_73, %iota3A, %broadcast_in_dim3A_75 : vector<1024x8xi1>, vector<1024x8xi32>
    %reduce_min3A = arith.constant dense<2147483647> : vector<1024xi32>
    %reduce_min3A_77 = vector.multi_reduction <minsi>, %select_n3A_76, %reduce_min3A [1] : vector<1024x8xi32> to vector<1024xi32>
    %broadcast_in_dim3A_78 = vector.shape_cast %reduce_min3A_77 : vector<1024xi32> to vector<1024x1xi32>
    %eq3A_79 = vector.broadcast %broadcast_in_dim3A_78 : vector<1024x1xi32> to vector<1024x8xi32>
    %eq3A_80 = arith.cmpi eq, %iota3A, %eq3A_79 : vector<1024x8xi32>
    %convert_element_type3A = arith.extui %eq3A_80 : vector<1024x8xi1> to vector<1024x8xi32>
    %convert_element_type3A_81 = arith.sitofp %convert_element_type3A : vector<1024x8xi32> to vector<1024x8xf32>
    %dot_general3A_82 = arith.constant dense<0.000000e+00> : vector<1024x256xf32>
    %dot_general3A_83 = tpu.matmul %convert_element_type3A_81, %get3A_55, %dot_general3A_82 {dimension_numbers = #tpu.dot_dimension_numbers<[1], [0], [0], [1], [0, 0, 1, 1], [], []>, transpose_lhs_hint = false} : vector<1024x8xf32>, vector<8x256xf32>, vector<1024x256xf32> -> vector<1024x256xf32>
    %swap3A_84 = arith.constant 0 : index
    %swap3A_85 = arith.constant 0 : index
    %swap3A_86 = vector.load %arg8[%swap3A_84, %swap3A_85] : memref<1024x256xf32, #tpu.memory_space<vmem>>, vector<1024x256xf32>
    tpu.vector_store %arg8[%swap3A_84, %swap3A_85], %dot_general3A_83 {strides = array<i32>} : memref<1024x256xf32, #tpu.memory_space<vmem>>, vector<1024x256xf32>,
    return
  }
}

module attributes {stable_mosaic.version = 14 : i64} {
  func.func @_scan_body(%arg0: i32, %arg1: memref<2048x512xf32, #tpu.memory_space<vmem>>, %arg2: memref<512x256xf32, #tpu.memory_space<vmem>>, %arg3: memref<1x256xf32, #tpu.memory_space<vmem>>, %arg4: memref<1x256xf32, #tpu.memory_space<vmem>>, %arg5: memref<1x256xf32, #tpu.memory_space<vmem>>, %arg6: memref<1024x256xf32, #tpu.memory_space<vmem>>, %arg7: memref<1024x8xf32, #tpu.memory_space<vmem>>, %arg8: memref<1024x8xi32, #tpu.memory_space<vmem>>, %arg9: memref<1024x8xf32, #tpu.memory_space<vmem>>, %arg10: memref<1024x8xi32, #tpu.memory_space<vmem>>) attributes {dimension_semantics = [#tpu.dimension_semantics<arbitrary>], iteration_bounds = array<i64: 49>, scalar_prefetch = 0 : i64, scratch_operands = 2 : i64, tpu.core_type = #tpu.core_type<tc>, window_params = [{transform_indices = @transform_0, window_bounds = array<i64: 2048, 512>}, {pipeline_mode = #tpu.pipeline_mode<synchronous>, transform_indices = @transform_1, window_bounds = array<i64: 512, 256>}, {pipeline_mode = #tpu.pipeline_mode<synchronous>, transform_indices = @transform_2, window_bounds = array<i64: 1, 256>}, {pipeline_mode = #tpu.pipeline_mode<synchronous>, transform_indices = @transform_3, window_bounds = array<i64: 1, 256>}, {pipeline_mode = #tpu.pipeline_mode<synchronous>, transform_indices = @transform_4, window_bounds = array<i64: 1, 256>}, {pipeline_mode = #tpu.pipeline_mode<synchronous>, transform_indices = @transform_5, window_bounds = array<i64: 1024, 256>}, {pipeline_mode = #tpu.pipeline_mode<synchronous>, transform_indices = @transform_6, window_bounds = array<i64: 1024, 8>}, {pipeline_mode = #tpu.pipeline_mode<synchronous>, transform_indices = @transform_7, window_bounds = array<i64: 1024, 8>}]} {
    %eq3A = arith.constant 0 : i32
    %eq3A_0 = arith.cmpi eq, %arg0, %eq3A : i32
    %convert_element_type3A = arith.extui %eq3A_0 : i1 to i32
    %cond3A = arith.constant 0 : i32
    %cond3A_1 = arith.cmpi ne, %convert_element_type3A, %cond3A : i32
    scf.if %cond3A_1 {
      %broadcast_in_dim3A_286 = arith.constant -1.000000e+30 : f32
      %broadcast_in_dim3A_287 = vector.broadcast %broadcast_in_dim3A_286 : f32 to vector<1024x8xf32>
      %swap3A_288 = arith.constant 0 : index
      %swap3A_289 = arith.constant 0 : index
      %swap3A_290 = vector.load %arg9[%swap3A_288, %swap3A_289] : memref<1024x8xf32, #tpu.memory_space<vmem>>, vector<1024x8xf32>
      tpu.vector_store %arg9[%swap3A_288, %swap3A_289], %broadcast_in_dim3A_287 {strides = array<i32>} : memref<1024x8xf32, #tpu.memory_space<vmem>>, vector<1024x8xf32>,
      %broadcast_in_dim3A_291 = arith.constant 0 : i32
      %broadcast_in_dim3A_292 = vector.broadcast %broadcast_in_dim3A_291 : i32 to vector<1024x8xi32>
      %swap3A_293 = arith.constant 0 : index
      %swap3A_294 = arith.constant 0 : index
      %swap3A_295 = vector.load %arg10[%swap3A_293, %swap3A_294] : memref<1024x8xi32, #tpu.memory_space<vmem>>, vector<1024x8xi32>
      tpu.vector_store %arg10[%swap3A_293, %swap3A_294], %broadcast_in_dim3A_292 {strides = array<i32>} : memref<1024x8xi32, #tpu.memory_space<vmem>>, vector<1024x8xi32>,
    } else {
    }
    %get3A = arith.constant 0 : index
    %get3A_2 = arith.constant 0 : index
    %get3A_3 = vector.load %arg1[%get3A, %get3A_2] : memref<2048x512xf32, #tpu.memory_space<vmem>>, vector<2048x512xf32>
    %get3A_4 = arith.constant 0 : index
    %get3A_5 = arith.constant 0 : index
    %get3A_6 = vector.load %arg2[%get3A_4, %get3A_5] : memref<512x256xf32, #tpu.memory_space<vmem>>, vector<512x256xf32>
    %dot_general3A = arith.constant dense<0.000000e+00> : vector<2048x256xf32>
    %dot_general3A_7 = tpu.matmul %get3A_3, %get3A_6, %dot_general3A {dimension_numbers = #tpu.dot_dimension_numbers<[1], [0], [0], [1], [0, 0, 1, 1], [], []>, transpose_lhs_hint = false} : vector<2048x512xf32>, vector<512x256xf32>, vector<2048x256xf32> -> vector<2048x256xf32>
    %get3A_8 = arith.constant 0 : index
    %get3A_9 = arith.constant 0 : index
    %get3A_10 = vector.load %arg3[%get3A_8, %get3A_9] : memref<1x256xf32, #tpu.memory_space<vmem>>, vector<1x256xf32>
    %add3A = vector.broadcast %get3A_10 : vector<1x256xf32> to vector<2048x256xf32>
    %add3A_11 = arith.addf %dot_general3A_7, %add3A : vector<2048x256xf32>
    %get3A_12 = arith.constant 0 : index
    %get3A_13 = arith.constant 0 : index
    %get3A_14 = vector.load %arg4[%get3A_12, %get3A_13] : memref<1x256xf32, #tpu.memory_space<vmem>>, vector<1x256xf32>
    %get3A_15 = arith.constant 0 : index
    %get3A_16 = arith.constant 0 : index
    %get3A_17 = vector.load %arg5[%get3A_15, %get3A_16] : memref<1x256xf32, #tpu.memory_space<vmem>>, vector<1x256xf32>
    %reduce_sum3A = arith.constant dense<0.000000e+00> : vector<2048xf32>
    %reduce_sum3A_18 = vector.multi_reduction <add>, %add3A_11, %reduce_sum3A [1] : vector<2048x256xf32> to vector<2048xf32>
    %broadcast_in_dim3A = vector.shape_cast %reduce_sum3A_18 : vector<2048xf32> to vector<2048x1xf32>
    %div3A = arith.constant 2.560000e+02 : f32
    %div3A_19 = vector.broadcast %div3A : f32 to vector<2048x1xf32>
    %div3A_20 = arith.divf %broadcast_in_dim3A, %div3A_19 : vector<2048x1xf32>
    %sub3A = vector.broadcast %div3A_20 : vector<2048x1xf32> to vector<2048x256xf32>
    %sub3A_21 = arith.subf %add3A_11, %sub3A : vector<2048x256xf32>
    %integer_pow3A = arith.mulf %sub3A_21, %sub3A_21 : vector<2048x256xf32>
    %reduce_sum3A_22 = arith.constant dense<0.000000e+00> : vector<2048xf32>
    %reduce_sum3A_23 = vector.multi_reduction <add>, %integer_pow3A, %reduce_sum3A_22 [1] : vector<2048x256xf32> to vector<2048xf32>
    %broadcast_in_dim3A_24 = vector.shape_cast %reduce_sum3A_23 : vector<2048xf32> to vector<2048x1xf32>
    %div3A_25 = arith.constant 2.560000e+02 : f32
    %div3A_26 = vector.broadcast %div3A_25 : f32 to vector<2048x1xf32>
    %div3A_27 = arith.divf %broadcast_in_dim3A_24, %div3A_26 : vector<2048x1xf32>
    %sub3A_28 = vector.broadcast %div3A_20 : vector<2048x1xf32> to vector<2048x256xf32>
    %sub3A_29 = arith.subf %add3A_11, %sub3A_28 : vector<2048x256xf32>
    %add3A_30 = arith.constant 9.99999974E-6 : f32
    %add3A_31 = vector.broadcast %add3A_30 : f32 to vector<2048x1xf32>
    %add3A_32 = arith.addf %div3A_27, %add3A_31 : vector<2048x1xf32>
    %sqrt3A = math.sqrt %add3A_32 : vector<2048x1xf32>
    %div3A_33 = vector.broadcast %sqrt3A : vector<2048x1xf32> to vector<2048x256xf32>
    %div3A_34 = arith.divf %sub3A_29, %div3A_33 : vector<2048x256xf32>
    %mul3A = vector.broadcast %get3A_14 : vector<1x256xf32> to vector<2048x256xf32>
    %mul3A_35 = arith.mulf %div3A_34, %mul3A : vector<2048x256xf32>
    %add3A_36 = vector.broadcast %get3A_17 : vector<1x256xf32> to vector<2048x256xf32>
    %add3A_37 = arith.addf %mul3A_35, %add3A_36 : vector<2048x256xf32>
    %max3A = arith.constant 0.000000e+00 : f32
    %max3A_38 = vector.broadcast %max3A : f32 to vector<2048x256xf32>
    %max3A_39 = arith.maximumf %add3A_37, %max3A_38 : vector<2048x256xf32>
    %mul3A_40 = arith.mulf %max3A_39, %max3A_39 : vector<2048x256xf32>
    %reduce_sum3A_41 = arith.constant dense<0.000000e+00> : vector<2048xf32>
    %reduce_sum3A_42 = vector.multi_reduction <add>, %mul3A_40, %reduce_sum3A_41 [1] : vector<2048x256xf32> to vector<2048xf32>
    %broadcast_in_dim3A_43 = vector.shape_cast %reduce_sum3A_42 : vector<2048xf32> to vector<2048x1xf32>
    %sqrt3A_44 = math.sqrt %broadcast_in_dim3A_43 : vector<2048x1xf32>
    %add3A_45 = arith.constant 9.99999996E-13 : f32
    %add3A_46 = vector.broadcast %add3A_45 : f32 to vector<2048x1xf32>
    %add3A_47 = arith.addf %sqrt3A_44, %add3A_46 : vector<2048x1xf32>
    %div3A_48 = vector.broadcast %add3A_47 : vector<2048x1xf32> to vector<2048x256xf32>
    %div3A_49 = arith.divf %max3A_39, %div3A_48 : vector<2048x256xf32>
    %get3A_50 = arith.constant 0 : index
    %get3A_51 = arith.constant 0 : index
    %get3A_52 = vector.load %arg6[%get3A_50, %get3A_51] : memref<1024x256xf32, #tpu.memory_space<vmem>>, vector<1024x256xf32>
    %dot_general3A_53 = arith.constant dense<0.000000e+00> : vector<1024x2048xf32>
    %dot_general3A_54 = tpu.matmul %get3A_52, %div3A_49, %dot_general3A_53 {dimension_numbers = #tpu.dot_dimension_numbers<[1], [1], [0], [0], [0, 0, 1, 0], [], []>, transpose_lhs_hint = false} : vector<1024x256xf32>, vector<2048x256xf32>, vector<1024x2048xf32> -> vector<1024x2048xf32>
    %iota3A = tpu.iota {dimensions = array<i32: 1>} : vector<1024x2048xi32>
    %mul3A_55 = arith.constant 2048 : i32
    %mul3A_56 = arith.muli %arg0, %mul3A_55 : i32
    %add3A_57 = vector.broadcast %mul3A_56 : i32 to vector<1024x2048xi32>
    %add3A_58 = arith.addi %iota3A, %add3A_57 : vector<1024x2048xi32>
    %lt3A = arith.constant 100000 : i32
    %lt3A_59 = vector.broadcast %lt3A : i32 to vector<1024x2048xi32>
    %lt3A_60 = arith.cmpi slt, %add3A_58, %lt3A_59 : vector<1024x2048xi32>
    %jit3A = arith.constant -1.000000e+30 : f32
    %broadcast_in_dim3A_61 = vector.broadcast %jit3A : f32 to vector<1024x2048xf32>
    %select_n3A = arith.select %lt3A_60, %dot_general3A_54, %broadcast_in_dim3A_61 : vector<1024x2048xi1>, vector<1024x2048xf32>
    %reduce_max3A = arith.constant dense<0xFF800000> : vector<1024xf32>
    %reduce_max3A_62 = vector.multi_reduction <maximumf>, %select_n3A, %reduce_max3A [1] : vector<1024x2048xf32> to vector<1024xf32>
    %broadcast_in_dim3A_63 = vector.shape_cast %reduce_max3A_62 : vector<1024xf32> to vector<1024x1xf32>
    %eq3A_64 = vector.broadcast %broadcast_in_dim3A_63 : vector<1024x1xf32> to vector<1024x2048xf32>
    %eq3A_65 = arith.cmpf oeq, %select_n3A, %eq3A_64 : vector<1024x2048xf32>
    %jit3A_66 = arith.constant 2048 : i32
    %broadcast_in_dim3A_67 = vector.broadcast %jit3A_66 : i32 to vector<1024x2048xi32>
    %select_n3A_68 = arith.select %eq3A_65, %iota3A, %broadcast_in_dim3A_67 : vector<1024x2048xi1>, vector<1024x2048xi32>
    %reduce_min3A = arith.constant dense<2147483647> : vector<1024xi32>
    %reduce_min3A_69 = vector.multi_reduction <minsi>, %select_n3A_68, %reduce_min3A [1] : vector<1024x2048xi32> to vector<1024xi32>
    %broadcast_in_dim3A_70 = vector.shape_cast %reduce_min3A_69 : vector<1024xi32> to vector<1024x1xi32>
    %mul3A_71 = arith.constant 2048 : i32
    %mul3A_72 = arith.muli %arg0, %mul3A_71 : i32
    %add3A_73 = vector.broadcast %mul3A_72 : i32 to vector<1024x1xi32>
    %add3A_74 = arith.addi %broadcast_in_dim3A_70, %add3A_73 : vector<1024x1xi32>
    %eq3A_75 = vector.broadcast %broadcast_in_dim3A_70 : vector<1024x1xi32> to vector<1024x2048xi32>
    %eq3A_76 = arith.cmpi eq, %iota3A, %eq3A_75 : vector<1024x2048xi32>
    %jit3A_77 = arith.constant -1.000000e+30 : f32
    %broadcast_in_dim3A_78 = vector.broadcast %jit3A_77 : f32 to vector<1024x2048xf32>
    %select_n3A_79 = arith.select %eq3A_76, %broadcast_in_dim3A_78, %select_n3A : vector<1024x2048xi1>, vector<1024x2048xf32>
    %reduce_max3A_80 = arith.constant dense<0xFF800000> : vector<1024xf32>
    %reduce_max3A_81 = vector.multi_reduction <maximumf>, %select_n3A_79, %reduce_max3A_80 [1] : vector<1024x2048xf32> to vector<1024xf32>
    %broadcast_in_dim3A_82 = vector.shape_cast %reduce_max3A_81 : vector<1024xf32> to vector<1024x1xf32>
    %eq3A_83 = vector.broadcast %broadcast_in_dim3A_82 : vector<1024x1xf32> to vector<1024x2048xf32>
    %eq3A_84 = arith.cmpf oeq, %select_n3A_79, %eq3A_83 : vector<1024x2048xf32>
    %jit3A_85 = arith.constant 2048 : i32
    %broadcast_in_dim3A_86 = vector.broadcast %jit3A_85 : i32 to vector<1024x2048xi32>
    %select_n3A_87 = arith.select %eq3A_84, %iota3A, %broadcast_in_dim3A_86 : vector<1024x2048xi1>, vector<1024x2048xi32>
    %reduce_min3A_88 = arith.constant dense<2147483647> : vector<1024xi32>
    %reduce_min3A_89 = vector.multi_reduction <minsi>, %select_n3A_87, %reduce_min3A_88 [1] : vector<1024x2048xi32> to vector<1024xi32>
    %broadcast_in_dim3A_90 = vector.shape_cast %reduce_min3A_89 : vector<1024xi32> to vector<1024x1xi32>
    %mul3A_91 = arith.constant 2048 : i32
    %mul3A_92 = arith.muli %arg0, %mul3A_91 : i32
    %add3A_93 = vector.broadcast %mul3A_92 : i32 to vector<1024x1xi32>
    %add3A_94 = arith.addi %broadcast_in_dim3A_90, %add3A_93 : vector<1024x1xi32>
    %eq3A_95 = vector.broadcast %broadcast_in_dim3A_90 : vector<1024x1xi32> to vector<1024x2048xi32>
    %eq3A_96 = arith.cmpi eq, %iota3A, %eq3A_95 : vector<1024x2048xi32>
    %jit3A_97 = arith.constant -1.000000e+30 : f32
    %broadcast_in_dim3A_98 = vector.broadcast %jit3A_97 : f32 to vector<1024x2048xf32>
    %select_n3A_99 = arith.select %eq3A_96, %broadcast_in_dim3A_98, %select_n3A_79 : vector<1024x2048xi1>, vector<1024x2048xf32>
    %reduce_max3A_100 = arith.constant dense<0xFF800000> : vector<1024xf32>
    %reduce_max3A_101 = vector.multi_reduction <maximumf>, %select_n3A_99, %reduce_max3A_100 [1] : vector<1024x2048xf32> to vector<1024xf32>
    %broadcast_in_dim3A_102 = vector.shape_cast %reduce_max3A_101 : vector<1024xf32> to vector<1024x1xf32>
    %eq3A_103 = vector.broadcast %broadcast_in_dim3A_102 : vector<1024x1xf32> to vector<1024x2048xf32>
    %eq3A_104 = arith.cmpf oeq, %select_n3A_99, %eq3A_103 : vector<1024x2048xf32>
    %jit3A_105 = arith.constant 2048 : i32
    %broadcast_in_dim3A_106 = vector.broadcast %jit3A_105 : i32 to vector<1024x2048xi32>
    %select_n3A_107 = arith.select %eq3A_104, %iota3A, %broadcast_in_dim3A_106 : vector<1024x2048xi1>, vector<1024x2048xi32>
    %reduce_min3A_108 = arith.constant dense<2147483647> : vector<1024xi32>
    %reduce_min3A_109 = vector.multi_reduction <minsi>, %select_n3A_107, %reduce_min3A_108 [1] : vector<1024x2048xi32> to vector<1024xi32>
    %broadcast_in_dim3A_110 = vector.shape_cast %reduce_min3A_109 : vector<1024xi32> to vector<1024x1xi32>
    %mul3A_111 = arith.constant 2048 : i32
    %mul3A_112 = arith.muli %arg0, %mul3A_111 : i32
    %add3A_113 = vector.broadcast %mul3A_112 : i32 to vector<1024x1xi32>
    %add3A_114 = arith.addi %broadcast_in_dim3A_110, %add3A_113 : vector<1024x1xi32>
    %eq3A_115 = vector.broadcast %broadcast_in_dim3A_110 : vector<1024x1xi32> to vector<1024x2048xi32>
    %eq3A_116 = arith.cmpi eq, %iota3A, %eq3A_115 : vector<1024x2048xi32>
    %jit3A_117 = arith.constant -1.000000e+30 : f32
    %broadcast_in_dim3A_118 = vector.broadcast %jit3A_117 : f32 to vector<1024x2048xf32>
    %select_n3A_119 = arith.select %eq3A_116, %broadcast_in_dim3A_118, %select_n3A_99 : vector<1024x2048xi1>, vector<1024x2048xf32>
    %reduce_max3A_120 = arith.constant dense<0xFF800000> : vector<1024xf32>
    %reduce_max3A_121 = vector.multi_reduction <maximumf>, %select_n3A_119, %reduce_max3A_120 [1] : vector<1024x2048xf32> to vector<1024xf32>
    %broadcast_in_dim3A_122 = vector.shape_cast %reduce_max3A_121 : vector<1024xf32> to vector<1024x1xf32>
    %eq3A_123 = vector.broadcast %broadcast_in_dim3A_122 : vector<1024x1xf32> to vector<1024x2048xf32>
    %eq3A_124 = arith.cmpf oeq, %select_n3A_119, %eq3A_123 : vector<1024x2048xf32>
    %jit3A_125 = arith.constant 2048 : i32
    %broadcast_in_dim3A_126 = vector.broadcast %jit3A_125 : i32 to vector<1024x2048xi32>
    %select_n3A_127 = arith.select %eq3A_124, %iota3A, %broadcast_in_dim3A_126 : vector<1024x2048xi1>, vector<1024x2048xi32>
    %reduce_min3A_128 = arith.constant dense<2147483647> : vector<1024xi32>
    %reduce_min3A_129 = vector.multi_reduction <minsi>, %select_n3A_127, %reduce_min3A_128 [1] : vector<1024x2048xi32> to vector<1024xi32>
    %broadcast_in_dim3A_130 = vector.shape_cast %reduce_min3A_129 : vector<1024xi32> to vector<1024x1xi32>
    %mul3A_131 = arith.constant 2048 : i32
    %mul3A_132 = arith.muli %arg0, %mul3A_131 : i32
    %add3A_133 = vector.broadcast %mul3A_132 : i32 to vector<1024x1xi32>
    %add3A_134 = arith.addi %broadcast_in_dim3A_130, %add3A_133 : vector<1024x1xi32>
    %eq3A_135 = vector.broadcast %broadcast_in_dim3A_130 : vector<1024x1xi32> to vector<1024x2048xi32>
    %eq3A_136 = arith.cmpi eq, %iota3A, %eq3A_135 : vector<1024x2048xi32>
    %jit3A_137 = arith.constant -1.000000e+30 : f32
    %broadcast_in_dim3A_138 = vector.broadcast %jit3A_137 : f32 to vector<1024x2048xf32>
    %select_n3A_139 = arith.select %eq3A_136, %broadcast_in_dim3A_138, %select_n3A_119 : vector<1024x2048xi1>, vector<1024x2048xf32>
    %reduce_max3A_140 = arith.constant dense<0xFF800000> : vector<1024xf32>
    %reduce_max3A_141 = vector.multi_reduction <maximumf>, %select_n3A_139, %reduce_max3A_140 [1] : vector<1024x2048xf32> to vector<1024xf32>
    %broadcast_in_dim3A_142 = vector.shape_cast %reduce_max3A_141 : vector<1024xf32> to vector<1024x1xf32>
    %eq3A_143 = vector.broadcast %broadcast_in_dim3A_142 : vector<1024x1xf32> to vector<1024x2048xf32>
    %eq3A_144 = arith.cmpf oeq, %select_n3A_139, %eq3A_143 : vector<1024x2048xf32>
    %jit3A_145 = arith.constant 2048 : i32
    %broadcast_in_dim3A_146 = vector.broadcast %jit3A_145 : i32 to vector<1024x2048xi32>
    %select_n3A_147 = arith.select %eq3A_144, %iota3A, %broadcast_in_dim3A_146 : vector<1024x2048xi1>, vector<1024x2048xi32>
    %reduce_min3A_148 = arith.constant dense<2147483647> : vector<1024xi32>
    %reduce_min3A_149 = vector.multi_reduction <minsi>, %select_n3A_147, %reduce_min3A_148 [1] : vector<1024x2048xi32> to vector<1024xi32>
    %broadcast_in_dim3A_150 = vector.shape_cast %reduce_min3A_149 : vector<1024xi32> to vector<1024x1xi32>
    %mul3A_151 = arith.constant 2048 : i32
    %mul3A_152 = arith.muli %arg0, %mul3A_151 : i32
    %add3A_153 = vector.broadcast %mul3A_152 : i32 to vector<1024x1xi32>
    %add3A_154 = arith.addi %broadcast_in_dim3A_150, %add3A_153 : vector<1024x1xi32>
    %broadcast_in_dim3A_155 = arith.constant -1.000000e+30 : f32
    %broadcast_in_dim3A_156 = vector.broadcast %broadcast_in_dim3A_155 : f32 to vector<1024x3xf32>
    %broadcast_in_dim3A_157 = arith.constant 0 : i32
    %broadcast_in_dim3A_158 = vector.broadcast %broadcast_in_dim3A_157 : i32 to vector<1024x3xi32>
    %get3A_159 = arith.constant 0 : index
    %get3A_160 = arith.constant 0 : index
    %get3A_161 = vector.load %arg9[%get3A_159, %get3A_160] : memref<1024x8xf32, #tpu.memory_space<vmem>>, vector<1024x8xf32>
    %concatenate3A = tpu.concatenate %get3A_161, %broadcast_in_dim3A_63, %broadcast_in_dim3A_82, %broadcast_in_dim3A_102, %broadcast_in_dim3A_122, %broadcast_in_dim3A_142, %broadcast_in_dim3A_156 in 1 : vector<1024x8xf32>, vector<1024x1xf32>, vector<1024x1xf32>, vector<1024x1xf32>, vector<1024x1xf32>, vector<1024x1xf32>, vector<1024x3xf32> -> vector<1024x16xf32>
    %get3A_162 = arith.constant 0 : index
    %get3A_163 = arith.constant 0 : index
    %get3A_164 = vector.load %arg10[%get3A_162, %get3A_163] : memref<1024x8xi32, #tpu.memory_space<vmem>>, vector<1024x8xi32>
    %concatenate3A_165 = tpu.concatenate %get3A_164, %add3A_74, %add3A_94, %add3A_114, %add3A_134, %add3A_154, %broadcast_in_dim3A_158 in 1 : vector<1024x8xi32>, vector<1024x1xi32>, vector<1024x1xi32>, vector<1024x1xi32>, vector<1024x1xi32>, vector<1024x1xi32>, vector<1024x3xi32> -> vector<1024x16xi32>
    %iota3A_166 = tpu.iota {dimensions = array<i32: 1>} : vector<1024x16xi32>
    %reduce_max3A_167 = arith.constant dense<0xFF800000> : vector<1024xf32>
    %reduce_max3A_168 = vector.multi_reduction <maximumf>, %concatenate3A, %reduce_max3A_167 [1] : vector<1024x16xf32> to vector<1024xf32>
    %broadcast_in_dim3A_169 = vector.shape_cast %reduce_max3A_168 : vector<1024xf32> to vector<1024x1xf32>
    %eq3A_170 = vector.broadcast %broadcast_in_dim3A_169 : vector<1024x1xf32> to vector<1024x16xf32>
    %eq3A_171 = arith.cmpf oeq, %concatenate3A, %eq3A_170 : vector<1024x16xf32>
    %jit3A_172 = arith.constant 16 : i32
    %broadcast_in_dim3A_173 = vector.broadcast %jit3A_172 : i32 to vector<1024x16xi32>
    %select_n3A_174 = arith.select %eq3A_171, %iota3A_166, %broadcast_in_dim3A_173 : vector<1024x16xi1>, vector<1024x16xi32>
    %reduce_min3A_175 = arith.constant dense<2147483647> : vector<1024xi32>
    %reduce_min3A_176 = vector.multi_reduction <minsi>, %select_n3A_174, %reduce_min3A_175 [1] : vector<1024x16xi32> to vector<1024xi32>
    %broadcast_in_dim3A_177 = vector.shape_cast %reduce_min3A_176 : vector<1024xi32> to vector<1024x1xi32>
    %eq3A_178 = vector.broadcast %broadcast_in_dim3A_177 : vector<1024x1xi32> to vector<1024x16xi32>
    %eq3A_179 = arith.cmpi eq, %iota3A_166, %eq3A_178 : vector<1024x16xi32>
    %jit3A_180 = arith.constant 0 : i32
    %broadcast_in_dim3A_181 = vector.broadcast %jit3A_180 : i32 to vector<1024x16xi32>
    %select_n3A_182 = arith.select %eq3A_179, %concatenate3A_165, %broadcast_in_dim3A_181 : vector<1024x16xi1>, vector<1024x16xi32>
    %reduce_sum3A_183 = arith.constant dense<0> : vector<1024xi32>
    %reduce_sum3A_184 = vector.multi_reduction <add>, %select_n3A_182, %reduce_sum3A_183 [1] : vector<1024x16xi32> to vector<1024xi32>
    %broadcast_in_dim3A_185 = vector.shape_cast %reduce_sum3A_184 : vector<1024xi32> to vector<1024x1xi32>
    %jit3A_186 = arith.constant -1.000000e+30 : f32
    %broadcast_in_dim3A_187 = vector.broadcast %jit3A_186 : f32 to vector<1024x16xf32>
    %select_n3A_188 = arith.select %eq3A_179, %broadcast_in_dim3A_187, %concatenate3A : vector<1024x16xi1>, vector<1024x16xf32>
    %reduce_max3A_189 = arith.constant dense<0xFF800000> : vector<1024xf32>
    %reduce_max3A_190 = vector.multi_reduction <maximumf>, %select_n3A_188, %reduce_max3A_189 [1] : vector<1024x16xf32> to vector<1024xf32>
    %broadcast_in_dim3A_191 = vector.shape_cast %reduce_max3A_190 : vector<1024xf32> to vector<1024x1xf32>
    %eq3A_192 = vector.broadcast %broadcast_in_dim3A_191 : vector<1024x1xf32> to vector<1024x16xf32>
    %eq3A_193 = arith.cmpf oeq, %select_n3A_188, %eq3A_192 : vector<1024x16xf32>
    %jit3A_194 = arith.constant 16 : i32
    %broadcast_in_dim3A_195 = vector.broadcast %jit3A_194 : i32 to vector<1024x16xi32>
    %select_n3A_196 = arith.select %eq3A_193, %iota3A_166, %broadcast_in_dim3A_195 : vector<1024x16xi1>, vector<1024x16xi32>
    %reduce_min3A_197 = arith.constant dense<2147483647> : vector<1024xi32>
    %reduce_min3A_198 = vector.multi_reduction <minsi>, %select_n3A_196, %reduce_min3A_197 [1] : vector<1024x16xi32> to vector<1024xi32>
    %broadcast_in_dim3A_199 = vector.shape_cast %reduce_min3A_198 : vector<1024xi32> to vector<1024x1xi32>
    %eq3A_200 = vector.broadcast %broadcast_in_dim3A_199 : vector<1024x1xi32> to vector<1024x16xi32>
    %eq3A_201 = arith.cmpi eq, %iota3A_166, %eq3A_200 : vector<1024x16xi32>
    %jit3A_202 = arith.constant 0 : i32
    %broadcast_in_dim3A_203 = vector.broadcast %jit3A_202 : i32 to vector<1024x16xi32>
    %select_n3A_204 = arith.select %eq3A_201, %concatenate3A_165, %broadcast_in_dim3A_203 : vector<1024x16xi1>, vector<1024x16xi32>
    %reduce_sum3A_205 = arith.constant dense<0> : vector<1024xi32>
    %reduce_sum3A_206 = vector.multi_reduction <add>, %select_n3A_204, %reduce_sum3A_205 [1] : vector<1024x16xi32> to vector<1024xi32>
    %broadcast_in_dim3A_207 = vector.shape_cast %reduce_sum3A_206 : vector<1024xi32> to vector<1024x1xi32>
    %jit3A_208 = arith.constant -1.000000e+30 : f32
    %broadcast_in_dim3A_209 = vector.broadcast %jit3A_208 : f32 to vector<1024x16xf32>
    %select_n3A_210 = arith.select %eq3A_201, %broadcast_in_dim3A_209, %select_n3A_188 : vector<1024x16xi1>, vector<1024x16xf32>
    %reduce_max3A_211 = arith.constant dense<0xFF800000> : vector<1024xf32>
    %reduce_max3A_212 = vector.multi_reduction <maximumf>, %select_n3A_210, %reduce_max3A_211 [1] : vector<1024x16xf32> to vector<1024xf32>
    %broadcast_in_dim3A_213 = vector.shape_cast %reduce_max3A_212 : vector<1024xf32> to vector<1024x1xf32>
    %eq3A_214 = vector.broadcast %broadcast_in_dim3A_213 : vector<1024x1xf32> to vector<1024x16xf32>
    %eq3A_215 = arith.cmpf oeq, %select_n3A_210, %eq3A_214 : vector<1024x16xf32>
    %jit3A_216 = arith.constant 16 : i32
    %broadcast_in_dim3A_217 = vector.broadcast %jit3A_216 : i32 to vector<1024x16xi32>
    %select_n3A_218 = arith.select %eq3A_215, %iota3A_166, %broadcast_in_dim3A_217 : vector<1024x16xi1>, vector<1024x16xi32>
    %reduce_min3A_219 = arith.constant dense<2147483647> : vector<1024xi32>
    %reduce_min3A_220 = vector.multi_reduction <minsi>, %select_n3A_218, %reduce_min3A_219 [1] : vector<1024x16xi32> to vector<1024xi32>
    %broadcast_in_dim3A_221 = vector.shape_cast %reduce_min3A_220 : vector<1024xi32> to vector<1024x1xi32>
    %eq3A_222 = vector.broadcast %broadcast_in_dim3A_221 : vector<1024x1xi32> to vector<1024x16xi32>
    %eq3A_223 = arith.cmpi eq, %iota3A_166, %eq3A_222 : vector<1024x16xi32>
    %jit3A_224 = arith.constant 0 : i32
    %broadcast_in_dim3A_225 = vector.broadcast %jit3A_224 : i32 to vector<1024x16xi32>
    %select_n3A_226 = arith.select %eq3A_223, %concatenate3A_165, %broadcast_in_dim3A_225 : vector<1024x16xi1>, vector<1024x16xi32>
    %reduce_sum3A_227 = arith.constant dense<0> : vector<1024xi32>
    %reduce_sum3A_228 = vector.multi_reduction <add>, %select_n3A_226, %reduce_sum3A_227 [1] : vector<1024x16xi32> to vector<1024xi32>
    %broadcast_in_dim3A_229 = vector.shape_cast %reduce_sum3A_228 : vector<1024xi32> to vector<1024x1xi32>
    %jit3A_230 = arith.constant -1.000000e+30 : f32
    %broadcast_in_dim3A_231 = vector.broadcast %jit3A_230 : f32 to vector<1024x16xf32>
    %select_n3A_232 = arith.select %eq3A_223, %broadcast_in_dim3A_231, %select_n3A_210 : vector<1024x16xi1>, vector<1024x16xf32>
    %reduce_max3A_233 = arith.constant dense<0xFF800000> : vector<1024xf32>
    %reduce_max3A_234 = vector.multi_reduction <maximumf>, %select_n3A_232, %reduce_max3A_233 [1] : vector<1024x16xf32> to vector<1024xf32>
    %broadcast_in_dim3A_235 = vector.shape_cast %reduce_max3A_234 : vector<1024xf32> to vector<1024x1xf32>
    %eq3A_236 = vector.broadcast %broadcast_in_dim3A_235 : vector<1024x1xf32> to vector<1024x16xf32>
    %eq3A_237 = arith.cmpf oeq, %select_n3A_232, %eq3A_236 : vector<1024x16xf32>
    %jit3A_238 = arith.constant 16 : i32
    %broadcast_in_dim3A_239 = vector.broadcast %jit3A_238 : i32 to vector<1024x16xi32>
    %select_n3A_240 = arith.select %eq3A_237, %iota3A_166, %broadcast_in_dim3A_239 : vector<1024x16xi1>, vector<1024x16xi32>
    %reduce_min3A_241 = arith.constant dense<2147483647> : vector<1024xi32>
    %reduce_min3A_242 = vector.multi_reduction <minsi>, %select_n3A_240, %reduce_min3A_241 [1] : vector<1024x16xi32> to vector<1024xi32>
    %broadcast_in_dim3A_243 = vector.shape_cast %reduce_min3A_242 : vector<1024xi32> to vector<1024x1xi32>
    %eq3A_244 = vector.broadcast %broadcast_in_dim3A_243 : vector<1024x1xi32> to vector<1024x16xi32>
    %eq3A_245 = arith.cmpi eq, %iota3A_166, %eq3A_244 : vector<1024x16xi32>
    %jit3A_246 = arith.constant 0 : i32
    %broadcast_in_dim3A_247 = vector.broadcast %jit3A_246 : i32 to vector<1024x16xi32>
    %select_n3A_248 = arith.select %eq3A_245, %concatenate3A_165, %broadcast_in_dim3A_247 : vector<1024x16xi1>, vector<1024x16xi32>
    %reduce_sum3A_249 = arith.constant dense<0> : vector<1024xi32>
    %reduce_sum3A_250 = vector.multi_reduction <add>, %select_n3A_248, %reduce_sum3A_249 [1] : vector<1024x16xi32> to vector<1024xi32>
    %broadcast_in_dim3A_251 = vector.shape_cast %reduce_sum3A_250 : vector<1024xi32> to vector<1024x1xi32>
    %jit3A_252 = arith.constant -1.000000e+30 : f32
    %broadcast_in_dim3A_253 = vector.broadcast %jit3A_252 : f32 to vector<1024x16xf32>
    %select_n3A_254 = arith.select %eq3A_245, %broadcast_in_dim3A_253, %select_n3A_232 : vector<1024x16xi1>, vector<1024x16xf32>
    %reduce_max3A_255 = arith.constant dense<0xFF800000> : vector<1024xf32>
    %reduce_max3A_256 = vector.multi_reduction <maximumf>, %select_n3A_254, %reduce_max3A_255 [1] : vector<1024x16xf32> to vector<1024xf32>
    %broadcast_in_dim3A_257 = vector.shape_cast %reduce_max3A_256 : vector<1024xf32> to vector<1024x1xf32>
    %eq3A_258 = vector.broadcast %broadcast_in_dim3A_257 : vector<1024x1xf32> to vector<1024x16xf32>
    %eq3A_259 = arith.cmpf oeq, %select_n3A_254, %eq3A_258 : vector<1024x16xf32>
    %jit3A_260 = arith.constant 16 : i32
    %broadcast_in_dim3A_261 = vector.broadcast %jit3A_260 : i32 to vector<1024x16xi32>
    %select_n3A_262 = arith.select %eq3A_259, %iota3A_166, %broadcast_in_dim3A_261 : vector<1024x16xi1>, vector<1024x16xi32>
    %reduce_min3A_263 = arith.constant dense<2147483647> : vector<1024xi32>
    %reduce_min3A_264 = vector.multi_reduction <minsi>, %select_n3A_262, %reduce_min3A_263 [1] : vector<1024x16xi32> to vector<1024xi32>
    %broadcast_in_dim3A_265 = vector.shape_cast %reduce_min3A_264 : vector<1024xi32> to vector<1024x1xi32>
    %eq3A_266 = vector.broadcast %broadcast_in_dim3A_265 : vector<1024x1xi32> to vector<1024x16xi32>
    %eq3A_267 = arith.cmpi eq, %iota3A_166, %eq3A_266 : vector<1024x16xi32>
    %jit3A_268 = arith.constant 0 : i32
    %broadcast_in_dim3A_269 = vector.broadcast %jit3A_268 : i32 to vector<1024x16xi32>
    %select_n3A_270 = arith.select %eq3A_267, %concatenate3A_165, %broadcast_in_dim3A_269 : vector<1024x16xi1>, vector<1024x16xi32>
    %reduce_sum3A_271 = arith.constant dense<0> : vector<1024xi32>
    %reduce_sum3A_272 = vector.multi_reduction <add>, %select_n3A_270, %reduce_sum3A_271 [1] : vector<1024x16xi32> to vector<1024xi32>
    %broadcast_in_dim3A_273 = vector.shape_cast %reduce_sum3A_272 : vector<1024xi32> to vector<1024x1xi32>
    %concatenate3A_274 = tpu.concatenate %broadcast_in_dim3A_169, %broadcast_in_dim3A_191, %broadcast_in_dim3A_213, %broadcast_in_dim3A_235, %broadcast_in_dim3A_257, %broadcast_in_dim3A_156 in 1 : vector<1024x1xf32>, vector<1024x1xf32>, vector<1024x1xf32>, vector<1024x1xf32>, vector<1024x1xf32>, vector<1024x3xf32> -> vector<1024x8xf32>
    %swap3A = arith.constant 0 : index
    %swap3A_275 = arith.constant 0 : index
    %swap3A_276 = vector.load %arg9[%swap3A, %swap3A_275] : memref<1024x8xf32, #tpu.memory_space<vmem>>, vector<1024x8xf32>
    tpu.vector_store %arg9[%swap3A, %swap3A_275], %concatenate3A_274 {strides = array<i32>} : memref<1024x8xf32, #tpu.memory_space<vmem>>, vector<1024x8xf32>,
    %concatenate3A_277 = tpu.concatenate %broadcast_in_dim3A_185, %broadcast_in_dim3A_207, %broadcast_in_dim3A_229, %broadcast_in_dim3A_251, %broadcast_in_dim3A_273, %broadcast_in_dim3A_158 in 1 : vector<1024x1xi32>, vector<1024x1xi32>, vector<1024x1xi32>, vector<1024x1xi32>, vector<1024x1xi32>, vector<1024x3xi32> -> vector<1024x8xi32>
    %swap3A_278 = arith.constant 0 : index
    %swap3A_279 = arith.constant 0 : index
    %swap3A_280 = vector.load %arg10[%swap3A_278, %swap3A_279] : memref<1024x8xi32, #tpu.memory_space<vmem>>, vector<1024x8xi32>
    tpu.vector_store %arg10[%swap3A_278, %swap3A_279], %concatenate3A_277 {strides = array<i32>} : memref<1024x8xi32, #tpu.memory_space<vmem>>, vector<1024x8xi32>,
    %eq3A_281 = arith.constant 48 : i32
    %eq3A_282 = arith.cmpi eq, %arg0, %eq3A_281 : i32
    %convert_element_type3A_283 = arith.extui %eq3A_282 : i1 to i32
    %cond3A_284 = arith.constant 0 : i32
    %cond3A_285 = arith.cmpi ne, %convert_element_type3A_283, %cond3A_284 : i32
    scf.if %cond3A_285 {
      %get3A_286 = arith.constant 0 : index
      %get3A_287 = arith.constant 0 : index
      %get3A_288 = vector.load %arg9[%get3A_286, %get3A_287] : memref<1024x8xf32, #tpu.memory_space<vmem>>, vector<1024x8xf32>
      %swap3A_289 = arith.constant 0 : index
      %swap3A_290 = arith.constant 0 : index
      %swap3A_291 = vector.load %arg7[%swap3A_289, %swap3A_290] : memref<1024x8xf32, #tpu.memory_space<vmem>>, vector<1024x8xf32>
      tpu.vector_store %arg7[%swap3A_289, %swap3A_290], %get3A_288 {strides = array<i32>} : memref<1024x8xf32, #tpu.memory_space<vmem>>, vector<1024x8xf32>,
      %get3A_292 = arith.constant 0 : index
      %get3A_293 = arith.constant 0 : index
      %get3A_294 = vector.load %arg10[%get3A_292, %get3A_293] : memref<1024x8xi32, #tpu.memory_space<vmem>>, vector<1024x8xi32>
      %swap3A_295 = arith.constant 0 : index
      %swap3A_296 = arith.constant 0 : index
      %swap3A_297 = vector.load %arg8[%swap3A_295, %swap3A_296] : memref<1024x8xi32, #tpu.memory_space<vmem>>, vector<1024x8xi32>
      tpu.vector_store %arg8[%swap3A_295, %swap3A_296], %get3A_294 {strides = array<i32>} : memref<1024x8xi32, #tpu.memory_space<vmem>>, vector<1024x8xi32>,
    } else {
    }
    return
  }
  func.func @transform_0(%arg0: i32) -> (i32, i32) {
    %c0_i32 = arith.constant 0 : i32
    %c0_i32_0 = arith.constant 0 : i32
    return %arg0, %c0_i32 : i32, i32
  }
  func.func @transform_1(%arg0: i32) -> (i32, i32) {
    %c0_i32 = arith.constant 0 : i32
    %c0_i32_0 = arith.constant 0 : i32
    %c0_i32_1 = arith.constant 0 : i32
    return %c0_i32, %c0_i32_0 : i32, i32
  }
  func.func @transform_2(%arg0: i32) -> (i32, i32) {
    %c0_i32 = arith.constant 0 : i32
    %c0_i32_0 = arith.constant 0 : i32
    %c0_i32_1 = arith.constant 0 : i32
    return %c0_i32, %c0_i32_0 : i32, i32
  }
  func.func @transform_3(%arg0: i32) -> (i32, i32) {
    %c0_i32 = arith.constant 0 : i32
    %c0_i32_0 = arith.constant 0 : i32
    %c0_i32_1 = arith.constant 0 : i32
    return %c0_i32, %c0_i32_0 : i32, i32
  }
  func.func @transform_4(%arg0: i32) -> (i32, i32) {
    %c0_i32 = arith.constant 0 : i32
    %c0_i32_0 = arith.constant 0 : i32
    %c0_i32_1 = arith.constant 0 : i32
    return %c0_i32, %c0_i32_0 : i32, i32
  }
  func.func @transform_5(%arg0: i32) -> (i32, i32) {
    %c0_i32 = arith.constant 0 : i32
    %c0_i32_0 = arith.constant 0 : i32
    %c0_i32_1 = arith.constant 0 : i32
    return %c0_i32, %c0_i32_0 : i32, i32
  }
  func.func @transform_6(%arg0: i32) -> (i32, i32) {
    %c0_i32 = arith.constant 0 : i32
    %c0_i32_0 = arith.constant 0 : i32
    %c0_i32_1 = arith.constant 0 : i32
    return %c0_i32, %c0_i32_0 : i32, i32
  }
  func.func @transform_7(%arg0: i32) -> (i32, i32) {
    %c0_i32 = arith.constant 0 : i32
    %c0_i32_0 = arith.constant 0 : i32
    %c0_i32_1 = arith.constant 0 : i32
    return %c0_i32, %c0_i32_0 : i32, i32
  }
}

module attributes {stable_mosaic.version = 14 : i64} {
  func.func @_tail_body(%arg0: i32, %arg1: memref<256x256xf32, #tpu.memory_space<vmem>>, %arg2: memref<256x256xf32, #tpu.memory_space<vmem>>, %arg3: memref<5x256x512xf32, #tpu.memory_space<vmem>>, %arg4: memref<5x256x256xf32, #tpu.memory_space<vmem>>, %arg5: memref<512x256xf32, #tpu.memory_space<vmem>>, %arg6: memref<1x256xf32, #tpu.memory_space<vmem>>, %arg7: memref<1x256xf32, #tpu.memory_space<vmem>>, %arg8: memref<1x256xf32, #tpu.memory_space<vmem>>, %arg9: memref<256x256xf32, #tpu.memory_space<vmem>>, %arg10: memref<1x256xf32, #tpu.memory_space<vmem>>, %arg11: memref<1x256xf32, #tpu.memory_space<vmem>>, %arg12: memref<1x256xf32, #tpu.memory_space<vmem>>, %arg13: memref<256x256xf32, #tpu.memory_space<vmem>>, %arg14: memref<1x256xf32, #tpu.memory_space<vmem>>, %arg15: memref<256x256xf32, #tpu.memory_space<vmem>>, %arg16: memref<1x256xf32, #tpu.memory_space<vmem>>, %arg17: memref<256x256xf32, #tpu.memory_space<vmem>>, %arg18: memref<1x256xf32, #tpu.memory_space<vmem>>, %arg19: memref<256x256xf32, #tpu.memory_space<vmem>>, %arg20: memref<1x256xf32, #tpu.memory_space<vmem>>, %arg21: memref<1x256xf32, #tpu.memory_space<vmem>>, %arg22: memref<1x256xf32, #tpu.memory_space<vmem>>, %arg23: memref<256x1024xf32, #tpu.memory_space<vmem>>, %arg24: memref<1x1024xf32, #tpu.memory_space<vmem>>, %arg25: memref<1024x256xf32, #tpu.memory_space<vmem>>, %arg26: memref<1x256xf32, #tpu.memory_space<vmem>>, %arg27: memref<1x256xf32, #tpu.memory_space<vmem>>, %arg28: memref<1x256xf32, #tpu.memory_space<vmem>>, %arg29: memref<256x256xf32, #tpu.memory_space<vmem>>) attributes {dimension_semantics = [#tpu.dimension_semantics<arbitrary>], iteration_bounds = array<i64: 4>, scalar_prefetch = 0 : i64, scratch_operands = 0 : i64, tpu.core_type = #tpu.core_type<tc>, window_params = [{transform_indices = @transform_0, window_bounds = array<i64: 256, 256>}, {transform_indices = @transform_1, window_bounds = array<i64: 256, 256>}, {transform_indices = @transform_2, window_bounds = array<i64: 5, 256, 512>}, {transform_indices = @transform_3, window_bounds = array<i64: 5, 256, 256>}, {pipeline_mode = #tpu.pipeline_mode<synchronous>, transform_indices = @transform_4, window_bounds = array<i64: 512, 256>}, {pipeline_mode = #tpu.pipeline_mode<synchronous>, transform_indices = @transform_5, window_bounds = array<i64: 1, 256>}, {pipeline_mode = #tpu.pipeline_mode<synchronous>, transform_indices = @transform_6, window_bounds = array<i64: 1, 256>}, {pipeline_mode = #tpu.pipeline_mode<synchronous>, transform_indices = @transform_7, window_bounds = array<i64: 1, 256>}, {pipeline_mode = #tpu.pipeline_mode<synchronous>, transform_indices = @transform_8, window_bounds = array<i64: 256, 256>}, {pipeline_mode = #tpu.pipeline_mode<synchronous>, transform_indices = @transform_9, window_bounds = array<i64: 1, 256>}, {pipeline_mode = #tpu.pipeline_mode<synchronous>, transform_indices = @transform_10, window_bounds = array<i64: 1, 256>}, {pipeline_mode = #tpu.pipeline_mode<synchronous>, transform_indices = @transform_11, window_bounds = array<i64: 1, 256>}, {pipeline_mode = #tpu.pipeline_mode<synchronous>, transform_indices = @transform_12, window_bounds = array<i64: 256, 256>}, {pipeline_mode = #tpu.pipeline_mode<synchronous>, transform_indices = @transform_13, window_bounds = array<i64: 1, 256>}, {pipeline_mode = #tpu.pipeline_mode<synchronous>, transform_indices = @transform_14, window_bounds = array<i64: 256, 256>}, {pipeline_mode = #tpu.pipeline_mode<synchronous>, transform_indices = @transform_15, window_bounds = array<i64: 1, 256>}, {pipeline_mode = #tpu.pipeline_mode<synchronous>, transform_indices = @transform_16, window_bounds = array<i64: 256, 256>}, {pipeline_mode = #tpu.pipeline_mode<synchronous>, transform_indices = @transform_17, window_bounds = array<i64: 1, 256>}, {pipeline_mode = #tpu.pipeline_mode<synchronous>, transform_indices = @transform_18, window_bounds = array<i64: 256, 256>}, {pipeline_mode = #tpu.pipeline_mode<synchronous>, transform_indices = @transform_19, window_bounds = array<i64: 1, 256>}, {pipeline_mode = #tpu.pipeline_mode<synchronous>, transform_indices = @transform_20, window_bounds = array<i64: 1, 256>}, {pipeline_mode = #tpu.pipeline_mode<synchronous>, transform_indices = @transform_21, window_bounds = array<i64: 1, 256>}, {pipeline_mode = #tpu.pipeline_mode<synchronous>, transform_indices = @transform_22, window_bounds = array<i64: 256, 1024>}, {pipeline_mode = #tpu.pipeline_mode<synchronous>, transform_indices = @transform_23, window_bounds = array<i64: 1, 1024>}, {pipeline_mode = #tpu.pipeline_mode<synchronous>, transform_indices = @transform_24, window_bounds = array<i64: 1024, 256>}, {pipeline_mode = #tpu.pipeline_mode<synchronous>, transform_indices = @transform_25, window_bounds = array<i64: 1, 256>}, {pipeline_mode = #tpu.pipeline_mode<synchronous>, transform_indices = @transform_26, window_bounds = array<i64: 1, 256>}, {pipeline_mode = #tpu.pipeline_mode<synchronous>, transform_indices = @transform_27, window_bounds = array<i64: 1, 256>}, {transform_indices = @transform_28, window_bounds = array<i64: 256, 256>}]} {
    %get3A = arith.constant 0 : index
    %get3A_0 = arith.constant 0 : index
    %get3A_1 = vector.load %arg1[%get3A, %get3A_0] : memref<256x256xf32, #tpu.memory_space<vmem>>, vector<256x256xf32>
    %get3A_2 = arith.constant 0 : index
    %get3A_3 = arith.constant 0 : index
    %get3A_4 = vector.load %arg2[%get3A_2, %get3A_3] : memref<256x256xf32, #tpu.memory_space<vmem>>, vector<256x256xf32>
    %get3A_5 = arith.constant 0 : index
    %get3A_6 = arith.constant 0 : index
    %get3A_7 = vector.load %arg15[%get3A_5, %get3A_6] : memref<256x256xf32, #tpu.memory_space<vmem>>, vector<256x256xf32>
    %get3A_8 = arith.constant 0 : index
    %get3A_9 = arith.constant 0 : index
    %get3A_10 = vector.load %arg16[%get3A_8, %get3A_9] : memref<1x256xf32, #tpu.memory_space<vmem>>, vector<1x256xf32>
    %get3A_11 = arith.constant 0 : index
    %get3A_12 = arith.constant 0 : index
    %get3A_13 = vector.load %arg17[%get3A_11, %get3A_12] : memref<256x256xf32, #tpu.memory_space<vmem>>, vector<256x256xf32>
    %get3A_14 = arith.constant 0 : index
    %get3A_15 = arith.constant 0 : index
    %get3A_16 = vector.load %arg18[%get3A_14, %get3A_15] : memref<1x256xf32, #tpu.memory_space<vmem>>, vector<1x256xf32>
    %get3A_17 = arith.constant 0 : index
    %get3A_18 = arith.constant 0 : index
    %get3A_19 = vector.load %arg13[%get3A_17, %get3A_18] : memref<256x256xf32, #tpu.memory_space<vmem>>, vector<256x256xf32>
    %dot_general3A = arith.constant dense<0.000000e+00> : vector<256x256xf32>
    %dot_general3A_20 = tpu.matmul %get3A_1, %get3A_19, %dot_general3A {dimension_numbers = #tpu.dot_dimension_numbers<[1], [0], [0], [1], [0, 0, 1, 1], [], []>, transpose_lhs_hint = false} : vector<256x256xf32>, vector<256x256xf32>, vector<256x256xf32> -> vector<256x256xf32>
    %get3A_21 = arith.constant 0 : index
    %get3A_22 = arith.constant 0 : index
    %get3A_23 = vector.load %arg14[%get3A_21, %get3A_22] : memref<1x256xf32, #tpu.memory_space<vmem>>, vector<1x256xf32>
    %add3A = vector.broadcast %get3A_23 : vector<1x256xf32> to vector<256x256xf32>
    %add3A_24 = arith.addf %dot_general3A_20, %add3A : vector<256x256xf32>
    %dot_general3A_25 = arith.constant dense<0.000000e+00> : vector<256x256xf32>
    %dot_general3A_26 = tpu.matmul %get3A_4, %get3A_7, %dot_general3A_25 {dimension_numbers = #tpu.dot_dimension_numbers<[1], [0], [0], [1], [0, 0, 1, 1], [], []>, transpose_lhs_hint = false} : vector<256x256xf32>, vector<256x256xf32>, vector<256x256xf32> -> vector<256x256xf32>
    %add3A_27 = vector.broadcast %get3A_10 : vector<1x256xf32> to vector<256x256xf32>
    %add3A_28 = arith.addf %dot_general3A_26, %add3A_27 : vector<256x256xf32>
    %dot_general3A_29 = arith.constant dense<0.000000e+00> : vector<256x256xf32>
    %dot_general3A_30 = tpu.matmul %get3A_4, %get3A_13, %dot_general3A_29 {dimension_numbers = #tpu.dot_dimension_numbers<[1], [0], [0], [1], [0, 0, 1, 1], [], []>, transpose_lhs_hint = false} : vector<256x256xf32>, vector<256x256xf32>, vector<256x256xf32> -> vector<256x256xf32>
    %add3A_31 = vector.broadcast %get3A_16 : vector<1x256xf32> to vector<256x256xf32>
    %add3A_32 = arith.addf %dot_general3A_30, %add3A_31 : vector<256x256xf32>
    %get3A_33 = arith.constant 0 : index
    %get3A_34 = arith.constant 0 : index
    %get3A_35 = arith.constant 0 : index
    %get3A_36 = vector.load %arg3[%get3A_33, %get3A_34, %get3A_35] : memref<5x256x512xf32, #tpu.memory_space<vmem>>, vector<1x256x512xf32>
    %get3A_37 = vector.shape_cast %get3A_36 : vector<1x256x512xf32> to vector<256x512xf32>
    %get3A_38 = arith.constant 0 : index
    %get3A_39 = arith.constant 0 : index
    %get3A_40 = vector.load %arg5[%get3A_38, %get3A_39] : memref<512x256xf32, #tpu.memory_space<vmem>>, vector<512x256xf32>
    %dot_general3A_41 = arith.constant dense<0.000000e+00> : vector<256x256xf32>
    %dot_general3A_42 = tpu.matmul %get3A_37, %get3A_40, %dot_general3A_41 {dimension_numbers = #tpu.dot_dimension_numbers<[1], [0], [0], [1], [0, 0, 1, 1], [], []>, transpose_lhs_hint = false} : vector<256x512xf32>, vector<512x256xf32>, vector<256x256xf32> -> vector<256x256xf32>
    %get3A_43 = arith.constant 0 : index
    %get3A_44 = arith.constant 0 : index
    %get3A_45 = vector.load %arg6[%get3A_43, %get3A_44] : memref<1x256xf32, #tpu.memory_space<vmem>>, vector<1x256xf32>
    %add3A_46 = vector.broadcast %get3A_45 : vector<1x256xf32> to vector<256x256xf32>
    %add3A_47 = arith.addf %dot_general3A_42, %add3A_46 : vector<256x256xf32>
    %get3A_48 = arith.constant 0 : index
    %get3A_49 = arith.constant 0 : index
    %get3A_50 = vector.load %arg7[%get3A_48, %get3A_49] : memref<1x256xf32, #tpu.memory_space<vmem>>, vector<1x256xf32>
    %get3A_51 = arith.constant 0 : index
    %get3A_52 = arith.constant 0 : index
    %get3A_53 = vector.load %arg8[%get3A_51, %get3A_52] : memref<1x256xf32, #tpu.memory_space<vmem>>, vector<1x256xf32>
    %reduce_sum3A = arith.constant dense<0.000000e+00> : vector<256xf32>
    %reduce_sum3A_54 = vector.multi_reduction <add>, %add3A_47, %reduce_sum3A [1] : vector<256x256xf32> to vector<256xf32>
    %broadcast_in_dim3A = vector.shape_cast %reduce_sum3A_54 : vector<256xf32> to vector<256x1xf32>
    %div3A = arith.constant 2.560000e+02 : f32
    %div3A_55 = vector.broadcast %div3A : f32 to vector<256x1xf32>
    %div3A_56 = arith.divf %broadcast_in_dim3A, %div3A_55 : vector<256x1xf32>
    %sub3A = vector.broadcast %div3A_56 : vector<256x1xf32> to vector<256x256xf32>
    %sub3A_57 = arith.subf %add3A_47, %sub3A : vector<256x256xf32>
    %integer_pow3A = arith.mulf %sub3A_57, %sub3A_57 : vector<256x256xf32>
    %reduce_sum3A_58 = arith.constant dense<0.000000e+00> : vector<256xf32>
    %reduce_sum3A_59 = vector.multi_reduction <add>, %integer_pow3A, %reduce_sum3A_58 [1] : vector<256x256xf32> to vector<256xf32>
    %broadcast_in_dim3A_60 = vector.shape_cast %reduce_sum3A_59 : vector<256xf32> to vector<256x1xf32>
    %div3A_61 = arith.constant 2.560000e+02 : f32
    %div3A_62 = vector.broadcast %div3A_61 : f32 to vector<256x1xf32>
    %div3A_63 = arith.divf %broadcast_in_dim3A_60, %div3A_62 : vector<256x1xf32>
    %sub3A_64 = vector.broadcast %div3A_56 : vector<256x1xf32> to vector<256x256xf32>
    %sub3A_65 = arith.subf %add3A_47, %sub3A_64 : vector<256x256xf32>
    %add3A_66 = arith.constant 9.99999974E-6 : f32
    %add3A_67 = vector.broadcast %add3A_66 : f32 to vector<256x1xf32>
    %add3A_68 = arith.addf %div3A_63, %add3A_67 : vector<256x1xf32>
    %sqrt3A = math.sqrt %add3A_68 : vector<256x1xf32>
    %div3A_69 = vector.broadcast %sqrt3A : vector<256x1xf32> to vector<256x256xf32>
    %div3A_70 = arith.divf %sub3A_65, %div3A_69 : vector<256x256xf32>
    %mul3A = vector.broadcast %get3A_50 : vector<1x256xf32> to vector<256x256xf32>
    %mul3A_71 = arith.mulf %div3A_70, %mul3A : vector<256x256xf32>
    %add3A_72 = vector.broadcast %get3A_53 : vector<1x256xf32> to vector<256x256xf32>
    %add3A_73 = arith.addf %mul3A_71, %add3A_72 : vector<256x256xf32>
    %max3A = arith.constant 0.000000e+00 : f32
    %max3A_74 = vector.broadcast %max3A : f32 to vector<256x256xf32>
    %max3A_75 = arith.maximumf %add3A_73, %max3A_74 : vector<256x256xf32>
    %get3A_76 = arith.constant 0 : index
    %get3A_77 = arith.constant 0 : index
    %get3A_78 = arith.constant 0 : index
    %get3A_79 = vector.load %arg4[%get3A_76, %get3A_77, %get3A_78] : memref<5x256x256xf32, #tpu.memory_space<vmem>>, vector<1x256x256xf32>
    %get3A_80 = vector.shape_cast %get3A_79 : vector<1x256x256xf32> to vector<256x256xf32>
    %get3A_81 = arith.constant 0 : index
    %get3A_82 = arith.constant 0 : index
    %get3A_83 = vector.load %arg9[%get3A_81, %get3A_82] : memref<256x256xf32, #tpu.memory_space<vmem>>, vector<256x256xf32>
    %dot_general3A_84 = arith.constant dense<0.000000e+00> : vector<256x256xf32>
    %dot_general3A_85 = tpu.matmul %get3A_80, %get3A_83, %dot_general3A_84 {dimension_numbers = #tpu.dot_dimension_numbers<[1], [0], [0], [1], [0, 0, 1, 1], [], []>, transpose_lhs_hint = false} : vector<256x256xf32>, vector<256x256xf32>, vector<256x256xf32> -> vector<256x256xf32>
    %get3A_86 = arith.constant 0 : index
    %get3A_87 = arith.constant 0 : index
    %get3A_88 = vector.load %arg10[%get3A_86, %get3A_87] : memref<1x256xf32, #tpu.memory_space<vmem>>, vector<1x256xf32>
    %add3A_89 = vector.broadcast %get3A_88 : vector<1x256xf32> to vector<256x256xf32>
    %add3A_90 = arith.addf %dot_general3A_85, %add3A_89 : vector<256x256xf32>
    %get3A_91 = arith.constant 0 : index
    %get3A_92 = arith.constant 0 : index
    %get3A_93 = vector.load %arg11[%get3A_91, %get3A_92] : memref<1x256xf32, #tpu.memory_space<vmem>>, vector<1x256xf32>
    %get3A_94 = arith.constant 0 : index
    %get3A_95 = arith.constant 0 : index
    %get3A_96 = vector.load %arg12[%get3A_94, %get3A_95] : memref<1x256xf32, #tpu.memory_space<vmem>>, vector<1x256xf32>
    %reduce_sum3A_97 = arith.constant dense<0.000000e+00> : vector<256xf32>
    %reduce_sum3A_98 = vector.multi_reduction <add>, %add3A_90, %reduce_sum3A_97 [1] : vector<256x256xf32> to vector<256xf32>
    %broadcast_in_dim3A_99 = vector.shape_cast %reduce_sum3A_98 : vector<256xf32> to vector<256x1xf32>
    %div3A_100 = arith.constant 2.560000e+02 : f32
    %div3A_101 = vector.broadcast %div3A_100 : f32 to vector<256x1xf32>
    %div3A_102 = arith.divf %broadcast_in_dim3A_99, %div3A_101 : vector<256x1xf32>
    %sub3A_103 = vector.broadcast %div3A_102 : vector<256x1xf32> to vector<256x256xf32>
    %sub3A_104 = arith.subf %add3A_90, %sub3A_103 : vector<256x256xf32>
    %integer_pow3A_105 = arith.mulf %sub3A_104, %sub3A_104 : vector<256x256xf32>
    %reduce_sum3A_106 = arith.constant dense<0.000000e+00> : vector<256xf32>
    %reduce_sum3A_107 = vector.multi_reduction <add>, %integer_pow3A_105, %reduce_sum3A_106 [1] : vector<256x256xf32> to vector<256xf32>
    %broadcast_in_dim3A_108 = vector.shape_cast %reduce_sum3A_107 : vector<256xf32> to vector<256x1xf32>
    %div3A_109 = arith.constant 2.560000e+02 : f32
    %div3A_110 = vector.broadcast %div3A_109 : f32 to vector<256x1xf32>
    %div3A_111 = arith.divf %broadcast_in_dim3A_108, %div3A_110 : vector<256x1xf32>
    %sub3A_112 = vector.broadcast %div3A_102 : vector<256x1xf32> to vector<256x256xf32>
    %sub3A_113 = arith.subf %add3A_90, %sub3A_112 : vector<256x256xf32>
    %add3A_114 = arith.constant 9.99999974E-6 : f32
    %add3A_115 = vector.broadcast %add3A_114 : f32 to vector<256x1xf32>
    %add3A_116 = arith.addf %div3A_111, %add3A_115 : vector<256x1xf32>
    %sqrt3A_117 = math.sqrt %add3A_116 : vector<256x1xf32>
    %div3A_118 = vector.broadcast %sqrt3A_117 : vector<256x1xf32> to vector<256x256xf32>
    %div3A_119 = arith.divf %sub3A_113, %div3A_118 : vector<256x256xf32>
    %mul3A_120 = vector.broadcast %get3A_93 : vector<1x256xf32> to vector<256x256xf32>
    %mul3A_121 = arith.mulf %div3A_119, %mul3A_120 : vector<256x256xf32>
    %add3A_122 = vector.broadcast %get3A_96 : vector<1x256xf32> to vector<256x256xf32>
    %add3A_123 = arith.addf %mul3A_121, %add3A_122 : vector<256x256xf32>
    %max3A_124 = arith.constant 0.000000e+00 : f32
    %max3A_125 = vector.broadcast %max3A_124 : f32 to vector<256x256xf32>
    %max3A_126 = arith.maximumf %add3A_123, %max3A_125 : vector<256x256xf32>
    %dot_general3A_127 = arith.constant dense<0.000000e+00> : vector<256x256xf32>
    %dot_general3A_128 = tpu.matmul %max3A_75, %get3A_7, %dot_general3A_127 {dimension_numbers = #tpu.dot_dimension_numbers<[1], [0], [0], [1], [0, 0, 1, 1], [], []>, transpose_lhs_hint = false} : vector<256x256xf32>, vector<256x256xf32>, vector<256x256xf32> -> vector<256x256xf32>
    %add3A_129 = vector.broadcast %get3A_10 : vector<1x256xf32> to vector<256x256xf32>
    %add3A_130 = arith.addf %dot_general3A_128, %add3A_129 : vector<256x256xf32>
    %dot_general3A_131 = arith.constant dense<0.000000e+00> : vector<256x256xf32>
    %dot_general3A_132 = tpu.matmul %max3A_126, %get3A_13, %dot_general3A_131 {dimension_numbers = #tpu.dot_dimension_numbers<[1], [0], [0], [1], [0, 0, 1, 1], [], []>, transpose_lhs_hint = false} : vector<256x256xf32>, vector<256x256xf32>, vector<256x256xf32> -> vector<256x256xf32>
    %add3A_133 = vector.broadcast %get3A_16 : vector<1x256xf32> to vector<256x256xf32>
    %add3A_134 = arith.addf %dot_general3A_132, %add3A_133 : vector<256x256xf32>
    %get3A_135 = arith.constant 1 : index
    %get3A_136 = arith.constant 0 : index
    %get3A_137 = arith.constant 0 : index
    %get3A_138 = vector.load %arg3[%get3A_135, %get3A_136, %get3A_137] : memref<5x256x512xf32, #tpu.memory_space<vmem>>, vector<1x256x512xf32>
    %get3A_139 = vector.shape_cast %get3A_138 : vector<1x256x512xf32> to vector<256x512xf32>
    %get3A_140 = arith.constant 0 : index
    %get3A_141 = arith.constant 0 : index
    %get3A_142 = vector.load %arg5[%get3A_140, %get3A_141] : memref<512x256xf32, #tpu.memory_space<vmem>>, vector<512x256xf32>
    %dot_general3A_143 = arith.constant dense<0.000000e+00> : vector<256x256xf32>
    %dot_general3A_144 = tpu.matmul %get3A_139, %get3A_142, %dot_general3A_143 {dimension_numbers = #tpu.dot_dimension_numbers<[1], [0], [0], [1], [0, 0, 1, 1], [], []>, transpose_lhs_hint = false} : vector<256x512xf32>, vector<512x256xf32>, vector<256x256xf32> -> vector<256x256xf32>
    %get3A_145 = arith.constant 0 : index
    %get3A_146 = arith.constant 0 : index
    %get3A_147 = vector.load %arg6[%get3A_145, %get3A_146] : memref<1x256xf32, #tpu.memory_space<vmem>>, vector<1x256xf32>
    %add3A_148 = vector.broadcast %get3A_147 : vector<1x256xf32> to vector<256x256xf32>
    %add3A_149 = arith.addf %dot_general3A_144, %add3A_148 : vector<256x256xf32>
    %get3A_150 = arith.constant 0 : index
    %get3A_151 = arith.constant 0 : index
    %get3A_152 = vector.load %arg7[%get3A_150, %get3A_151] : memref<1x256xf32, #tpu.memory_space<vmem>>, vector<1x256xf32>
    %get3A_153 = arith.constant 0 : index
    %get3A_154 = arith.constant 0 : index
    %get3A_155 = vector.load %arg8[%get3A_153, %get3A_154] : memref<1x256xf32, #tpu.memory_space<vmem>>, vector<1x256xf32>
    %reduce_sum3A_156 = arith.constant dense<0.000000e+00> : vector<256xf32>
    %reduce_sum3A_157 = vector.multi_reduction <add>, %add3A_149, %reduce_sum3A_156 [1] : vector<256x256xf32> to vector<256xf32>
    %broadcast_in_dim3A_158 = vector.shape_cast %reduce_sum3A_157 : vector<256xf32> to vector<256x1xf32>
    %div3A_159 = arith.constant 2.560000e+02 : f32
    %div3A_160 = vector.broadcast %div3A_159 : f32 to vector<256x1xf32>
    %div3A_161 = arith.divf %broadcast_in_dim3A_158, %div3A_160 : vector<256x1xf32>
    %sub3A_162 = vector.broadcast %div3A_161 : vector<256x1xf32> to vector<256x256xf32>
    %sub3A_163 = arith.subf %add3A_149, %sub3A_162 : vector<256x256xf32>
    %integer_pow3A_164 = arith.mulf %sub3A_163, %sub3A_163 : vector<256x256xf32>
    %reduce_sum3A_165 = arith.constant dense<0.000000e+00> : vector<256xf32>
    %reduce_sum3A_166 = vector.multi_reduction <add>, %integer_pow3A_164, %reduce_sum3A_165 [1] : vector<256x256xf32> to vector<256xf32>
    %broadcast_in_dim3A_167 = vector.shape_cast %reduce_sum3A_166 : vector<256xf32> to vector<256x1xf32>
    %div3A_168 = arith.constant 2.560000e+02 : f32
    %div3A_169 = vector.broadcast %div3A_168 : f32 to vector<256x1xf32>
    %div3A_170 = arith.divf %broadcast_in_dim3A_167, %div3A_169 : vector<256x1xf32>
    %sub3A_171 = vector.broadcast %div3A_161 : vector<256x1xf32> to vector<256x256xf32>
    %sub3A_172 = arith.subf %add3A_149, %sub3A_171 : vector<256x256xf32>
    %add3A_173 = arith.constant 9.99999974E-6 : f32
    %add3A_174 = vector.broadcast %add3A_173 : f32 to vector<256x1xf32>
    %add3A_175 = arith.addf %div3A_170, %add3A_174 : vector<256x1xf32>
    %sqrt3A_176 = math.sqrt %add3A_175 : vector<256x1xf32>
    %div3A_177 = vector.broadcast %sqrt3A_176 : vector<256x1xf32> to vector<256x256xf32>
    %div3A_178 = arith.divf %sub3A_172, %div3A_177 : vector<256x256xf32>
    %mul3A_179 = vector.broadcast %get3A_152 : vector<1x256xf32> to vector<256x256xf32>
    %mul3A_180 = arith.mulf %div3A_178, %mul3A_179 : vector<256x256xf32>
    %add3A_181 = vector.broadcast %get3A_155 : vector<1x256xf32> to vector<256x256xf32>
    %add3A_182 = arith.addf %mul3A_180, %add3A_181 : vector<256x256xf32>
    %max3A_183 = arith.constant 0.000000e+00 : f32
    %max3A_184 = vector.broadcast %max3A_183 : f32 to vector<256x256xf32>
    %max3A_185 = arith.maximumf %add3A_182, %max3A_184 : vector<256x256xf32>
    %get3A_186 = arith.constant 1 : index
    %get3A_187 = arith.constant 0 : index
    %get3A_188 = arith.constant 0 : index
    %get3A_189 = vector.load %arg4[%get3A_186, %get3A_187, %get3A_188] : memref<5x256x256xf32, #tpu.memory_space<vmem>>, vector<1x256x256xf32>
    %get3A_190 = vector.shape_cast %get3A_189 : vector<1x256x256xf32> to vector<256x256xf32>
    %get3A_191 = arith.constant 0 : index
    %get3A_192 = arith.constant 0 : index
    %get3A_193 = vector.load %arg9[%get3A_191, %get3A_192] : memref<256x256xf32, #tpu.memory_space<vmem>>, vector<256x256xf32>
    %dot_general3A_194 = arith.constant dense<0.000000e+00> : vector<256x256xf32>
    %dot_general3A_195 = tpu.matmul %get3A_190, %get3A_193, %dot_general3A_194 {dimension_numbers = #tpu.dot_dimension_numbers<[1], [0], [0], [1], [0, 0, 1, 1], [], []>, transpose_lhs_hint = false} : vector<256x256xf32>, vector<256x256xf32>, vector<256x256xf32> -> vector<256x256xf32>
    %get3A_196 = arith.constant 0 : index
    %get3A_197 = arith.constant 0 : index
    %get3A_198 = vector.load %arg10[%get3A_196, %get3A_197] : memref<1x256xf32, #tpu.memory_space<vmem>>, vector<1x256xf32>
    %add3A_199 = vector.broadcast %get3A_198 : vector<1x256xf32> to vector<256x256xf32>
    %add3A_200 = arith.addf %dot_general3A_195, %add3A_199 : vector<256x256xf32>
    %get3A_201 = arith.constant 0 : index
    %get3A_202 = arith.constant 0 : index
    %get3A_203 = vector.load %arg11[%get3A_201, %get3A_202] : memref<1x256xf32, #tpu.memory_space<vmem>>, vector<1x256xf32>
    %get3A_204 = arith.constant 0 : index
    %get3A_205 = arith.constant 0 : index
    %get3A_206 = vector.load %arg12[%get3A_204, %get3A_205] : memref<1x256xf32, #tpu.memory_space<vmem>>, vector<1x256xf32>
    %reduce_sum3A_207 = arith.constant dense<0.000000e+00> : vector<256xf32>
    %reduce_sum3A_208 = vector.multi_reduction <add>, %add3A_200, %reduce_sum3A_207 [1] : vector<256x256xf32> to vector<256xf32>
    %broadcast_in_dim3A_209 = vector.shape_cast %reduce_sum3A_208 : vector<256xf32> to vector<256x1xf32>
    %div3A_210 = arith.constant 2.560000e+02 : f32
    %div3A_211 = vector.broadcast %div3A_210 : f32 to vector<256x1xf32>
    %div3A_212 = arith.divf %broadcast_in_dim3A_209, %div3A_211 : vector<256x1xf32>
    %sub3A_213 = vector.broadcast %div3A_212 : vector<256x1xf32> to vector<256x256xf32>
    %sub3A_214 = arith.subf %add3A_200, %sub3A_213 : vector<256x256xf32>
    %integer_pow3A_215 = arith.mulf %sub3A_214, %sub3A_214 : vector<256x256xf32>
    %reduce_sum3A_216 = arith.constant dense<0.000000e+00> : vector<256xf32>
    %reduce_sum3A_217 = vector.multi_reduction <add>, %integer_pow3A_215, %reduce_sum3A_216 [1] : vector<256x256xf32> to vector<256xf32>
    %broadcast_in_dim3A_218 = vector.shape_cast %reduce_sum3A_217 : vector<256xf32> to vector<256x1xf32>
    %div3A_219 = arith.constant 2.560000e+02 : f32
    %div3A_220 = vector.broadcast %div3A_219 : f32 to vector<256x1xf32>
    %div3A_221 = arith.divf %broadcast_in_dim3A_218, %div3A_220 : vector<256x1xf32>
    %sub3A_222 = vector.broadcast %div3A_212 : vector<256x1xf32> to vector<256x256xf32>
    %sub3A_223 = arith.subf %add3A_200, %sub3A_222 : vector<256x256xf32>
    %add3A_224 = arith.constant 9.99999974E-6 : f32
    %add3A_225 = vector.broadcast %add3A_224 : f32 to vector<256x1xf32>
    %add3A_226 = arith.addf %div3A_221, %add3A_225 : vector<256x1xf32>
    %sqrt3A_227 = math.sqrt %add3A_226 : vector<256x1xf32>
    %div3A_228 = vector.broadcast %sqrt3A_227 : vector<256x1xf32> to vector<256x256xf32>
    %div3A_229 = arith.divf %sub3A_223, %div3A_228 : vector<256x256xf32>
    %mul3A_230 = vector.broadcast %get3A_203 : vector<1x256xf32> to vector<256x256xf32>
    %mul3A_231 = arith.mulf %div3A_229, %mul3A_230 : vector<256x256xf32>
    %add3A_232 = vector.broadcast %get3A_206 : vector<1x256xf32> to vector<256x256xf32>
    %add3A_233 = arith.addf %mul3A_231, %add3A_232 : vector<256x256xf32>
    %max3A_234 = arith.constant 0.000000e+00 : f32
    %max3A_235 = vector.broadcast %max3A_234 : f32 to vector<256x256xf32>
    %max3A_236 = arith.maximumf %add3A_233, %max3A_235 : vector<256x256xf32>
    %dot_general3A_237 = arith.constant dense<0.000000e+00> : vector<256x256xf32>
    %dot_general3A_238 = tpu.matmul %max3A_185, %get3A_7, %dot_general3A_237 {dimension_numbers = #tpu.dot_dimension_numbers<[1], [0], [0], [1], [0, 0, 1, 1], [], []>, transpose_lhs_hint = false} : vector<256x256xf32>, vector<256x256xf32>, vector<256x256xf32> -> vector<256x256xf32>
    %add3A_239 = vector.broadcast %get3A_10 : vector<1x256xf32> to vector<256x256xf32>
    %add3A_240 = arith.addf %dot_general3A_238, %add3A_239 : vector<256x256xf32>
    %dot_general3A_241 = arith.constant dense<0.000000e+00> : vector<256x256xf32>
    %dot_general3A_242 = tpu.matmul %max3A_236, %get3A_13, %dot_general3A_241 {dimension_numbers = #tpu.dot_dimension_numbers<[1], [0], [0], [1], [0, 0, 1, 1], [], []>, transpose_lhs_hint = false} : vector<256x256xf32>, vector<256x256xf32>, vector<256x256xf32> -> vector<256x256xf32>
    %add3A_243 = vector.broadcast %get3A_16 : vector<1x256xf32> to vector<256x256xf32>
    %add3A_244 = arith.addf %dot_general3A_242, %add3A_243 : vector<256x256xf32>
    %get3A_245 = arith.constant 2 : index
    %get3A_246 = arith.constant 0 : index
    %get3A_247 = arith.constant 0 : index
    %get3A_248 = vector.load %arg3[%get3A_245, %get3A_246, %get3A_247] : memref<5x256x512xf32, #tpu.memory_space<vmem>>, vector<1x256x512xf32>
    %get3A_249 = vector.shape_cast %get3A_248 : vector<1x256x512xf32> to vector<256x512xf32>
    %get3A_250 = arith.constant 0 : index
    %get3A_251 = arith.constant 0 : index
    %get3A_252 = vector.load %arg5[%get3A_250, %get3A_251] : memref<512x256xf32, #tpu.memory_space<vmem>>, vector<512x256xf32>
    %dot_general3A_253 = arith.constant dense<0.000000e+00> : vector<256x256xf32>
    %dot_general3A_254 = tpu.matmul %get3A_249, %get3A_252, %dot_general3A_253 {dimension_numbers = #tpu.dot_dimension_numbers<[1], [0], [0], [1], [0, 0, 1, 1], [], []>, transpose_lhs_hint = false} : vector<256x512xf32>, vector<512x256xf32>, vector<256x256xf32> -> vector<256x256xf32>
    %get3A_255 = arith.constant 0 : index
    %get3A_256 = arith.constant 0 : index
    %get3A_257 = vector.load %arg6[%get3A_255, %get3A_256] : memref<1x256xf32, #tpu.memory_space<vmem>>, vector<1x256xf32>
    %add3A_258 = vector.broadcast %get3A_257 : vector<1x256xf32> to vector<256x256xf32>
    %add3A_259 = arith.addf %dot_general3A_254, %add3A_258 : vector<256x256xf32>
    %get3A_260 = arith.constant 0 : index
    %get3A_261 = arith.constant 0 : index
    %get3A_262 = vector.load %arg7[%get3A_260, %get3A_261] : memref<1x256xf32, #tpu.memory_space<vmem>>, vector<1x256xf32>
    %get3A_263 = arith.constant 0 : index
    %get3A_264 = arith.constant 0 : index
    %get3A_265 = vector.load %arg8[%get3A_263, %get3A_264] : memref<1x256xf32, #tpu.memory_space<vmem>>, vector<1x256xf32>
    %reduce_sum3A_266 = arith.constant dense<0.000000e+00> : vector<256xf32>
    %reduce_sum3A_267 = vector.multi_reduction <add>, %add3A_259, %reduce_sum3A_266 [1] : vector<256x256xf32> to vector<256xf32>
    %broadcast_in_dim3A_268 = vector.shape_cast %reduce_sum3A_267 : vector<256xf32> to vector<256x1xf32>
    %div3A_269 = arith.constant 2.560000e+02 : f32
    %div3A_270 = vector.broadcast %div3A_269 : f32 to vector<256x1xf32>
    %div3A_271 = arith.divf %broadcast_in_dim3A_268, %div3A_270 : vector<256x1xf32>
    %sub3A_272 = vector.broadcast %div3A_271 : vector<256x1xf32> to vector<256x256xf32>
    %sub3A_273 = arith.subf %add3A_259, %sub3A_272 : vector<256x256xf32>
    %integer_pow3A_274 = arith.mulf %sub3A_273, %sub3A_273 : vector<256x256xf32>
    %reduce_sum3A_275 = arith.constant dense<0.000000e+00> : vector<256xf32>
    %reduce_sum3A_276 = vector.multi_reduction <add>, %integer_pow3A_274, %reduce_sum3A_275 [1] : vector<256x256xf32> to vector<256xf32>
    %broadcast_in_dim3A_277 = vector.shape_cast %reduce_sum3A_276 : vector<256xf32> to vector<256x1xf32>
    %div3A_278 = arith.constant 2.560000e+02 : f32
    %div3A_279 = vector.broadcast %div3A_278 : f32 to vector<256x1xf32>
    %div3A_280 = arith.divf %broadcast_in_dim3A_277, %div3A_279 : vector<256x1xf32>
    %sub3A_281 = vector.broadcast %div3A_271 : vector<256x1xf32> to vector<256x256xf32>
    %sub3A_282 = arith.subf %add3A_259, %sub3A_281 : vector<256x256xf32>
    %add3A_283 = arith.constant 9.99999974E-6 : f32
    %add3A_284 = vector.broadcast %add3A_283 : f32 to vector<256x1xf32>
    %add3A_285 = arith.addf %div3A_280, %add3A_284 : vector<256x1xf32>
    %sqrt3A_286 = math.sqrt %add3A_285 : vector<256x1xf32>
    %div3A_287 = vector.broadcast %sqrt3A_286 : vector<256x1xf32> to vector<256x256xf32>
    %div3A_288 = arith.divf %sub3A_282, %div3A_287 : vector<256x256xf32>
    %mul3A_289 = vector.broadcast %get3A_262 : vector<1x256xf32> to vector<256x256xf32>
    %mul3A_290 = arith.mulf %div3A_288, %mul3A_289 : vector<256x256xf32>
    %add3A_291 = vector.broadcast %get3A_265 : vector<1x256xf32> to vector<256x256xf32>
    %add3A_292 = arith.addf %mul3A_290, %add3A_291 : vector<256x256xf32>
    %max3A_293 = arith.constant 0.000000e+00 : f32
    %max3A_294 = vector.broadcast %max3A_293 : f32 to vector<256x256xf32>
    %max3A_295 = arith.maximumf %add3A_292, %max3A_294 : vector<256x256xf32>
    %get3A_296 = arith.constant 2 : index
    %get3A_297 = arith.constant 0 : index
    %get3A_298 = arith.constant 0 : index
    %get3A_299 = vector.load %arg4[%get3A_296, %get3A_297, %get3A_298] : memref<5x256x256xf32, #tpu.memory_space<vmem>>, vector<1x256x256xf32>
    %get3A_300 = vector.shape_cast %get3A_299 : vector<1x256x256xf32> to vector<256x256xf32>
    %get3A_301 = arith.constant 0 : index
    %get3A_302 = arith.constant 0 : index
    %get3A_303 = vector.load %arg9[%get3A_301, %get3A_302] : memref<256x256xf32, #tpu.memory_space<vmem>>, vector<256x256xf32>
    %dot_general3A_304 = arith.constant dense<0.000000e+00> : vector<256x256xf32>
    %dot_general3A_305 = tpu.matmul %get3A_300, %get3A_303, %dot_general3A_304 {dimension_numbers = #tpu.dot_dimension_numbers<[1], [0], [0], [1], [0, 0, 1, 1], [], []>, transpose_lhs_hint = false} : vector<256x256xf32>, vector<256x256xf32>, vector<256x256xf32> -> vector<256x256xf32>
    %get3A_306 = arith.constant 0 : index
    %get3A_307 = arith.constant 0 : index
    %get3A_308 = vector.load %arg10[%get3A_306, %get3A_307] : memref<1x256xf32, #tpu.memory_space<vmem>>, vector<1x256xf32>
    %add3A_309 = vector.broadcast %get3A_308 : vector<1x256xf32> to vector<256x256xf32>
    %add3A_310 = arith.addf %dot_general3A_305, %add3A_309 : vector<256x256xf32>
    %get3A_311 = arith.constant 0 : index
    %get3A_312 = arith.constant 0 : index
    %get3A_313 = vector.load %arg11[%get3A_311, %get3A_312] : memref<1x256xf32, #tpu.memory_space<vmem>>, vector<1x256xf32>
    %get3A_314 = arith.constant 0 : index
    %get3A_315 = arith.constant 0 : index
    %get3A_316 = vector.load %arg12[%get3A_314, %get3A_315] : memref<1x256xf32, #tpu.memory_space<vmem>>, vector<1x256xf32>
    %reduce_sum3A_317 = arith.constant dense<0.000000e+00> : vector<256xf32>
    %reduce_sum3A_318 = vector.multi_reduction <add>, %add3A_310, %reduce_sum3A_317 [1] : vector<256x256xf32> to vector<256xf32>
    %broadcast_in_dim3A_319 = vector.shape_cast %reduce_sum3A_318 : vector<256xf32> to vector<256x1xf32>
    %div3A_320 = arith.constant 2.560000e+02 : f32
    %div3A_321 = vector.broadcast %div3A_320 : f32 to vector<256x1xf32>
    %div3A_322 = arith.divf %broadcast_in_dim3A_319, %div3A_321 : vector<256x1xf32>
    %sub3A_323 = vector.broadcast %div3A_322 : vector<256x1xf32> to vector<256x256xf32>
    %sub3A_324 = arith.subf %add3A_310, %sub3A_323 : vector<256x256xf32>
    %integer_pow3A_325 = arith.mulf %sub3A_324, %sub3A_324 : vector<256x256xf32>
    %reduce_sum3A_326 = arith.constant dense<0.000000e+00> : vector<256xf32>
    %reduce_sum3A_327 = vector.multi_reduction <add>, %integer_pow3A_325, %reduce_sum3A_326 [1] : vector<256x256xf32> to vector<256xf32>
    %broadcast_in_dim3A_328 = vector.shape_cast %reduce_sum3A_327 : vector<256xf32> to vector<256x1xf32>
    %div3A_329 = arith.constant 2.560000e+02 : f32
    %div3A_330 = vector.broadcast %div3A_329 : f32 to vector<256x1xf32>
    %div3A_331 = arith.divf %broadcast_in_dim3A_328, %div3A_330 : vector<256x1xf32>
    %sub3A_332 = vector.broadcast %div3A_322 : vector<256x1xf32> to vector<256x256xf32>
    %sub3A_333 = arith.subf %add3A_310, %sub3A_332 : vector<256x256xf32>
    %add3A_334 = arith.constant 9.99999974E-6 : f32
    %add3A_335 = vector.broadcast %add3A_334 : f32 to vector<256x1xf32>
    %add3A_336 = arith.addf %div3A_331, %add3A_335 : vector<256x1xf32>
    %sqrt3A_337 = math.sqrt %add3A_336 : vector<256x1xf32>
    %div3A_338 = vector.broadcast %sqrt3A_337 : vector<256x1xf32> to vector<256x256xf32>
    %div3A_339 = arith.divf %sub3A_333, %div3A_338 : vector<256x256xf32>
    %mul3A_340 = vector.broadcast %get3A_313 : vector<1x256xf32> to vector<256x256xf32>
    %mul3A_341 = arith.mulf %div3A_339, %mul3A_340 : vector<256x256xf32>
    %add3A_342 = vector.broadcast %get3A_316 : vector<1x256xf32> to vector<256x256xf32>
    %add3A_343 = arith.addf %mul3A_341, %add3A_342 : vector<256x256xf32>
    %max3A_344 = arith.constant 0.000000e+00 : f32
    %max3A_345 = vector.broadcast %max3A_344 : f32 to vector<256x256xf32>
    %max3A_346 = arith.maximumf %add3A_343, %max3A_345 : vector<256x256xf32>
    %dot_general3A_347 = arith.constant dense<0.000000e+00> : vector<256x256xf32>
    %dot_general3A_348 = tpu.matmul %max3A_295, %get3A_7, %dot_general3A_347 {dimension_numbers = #tpu.dot_dimension_numbers<[1], [0], [0], [1], [0, 0, 1, 1], [], []>, transpose_lhs_hint = false} : vector<256x256xf32>, vector<256x256xf32>, vector<256x256xf32> -> vector<256x256xf32>
    %add3A_349 = vector.broadcast %get3A_10 : vector<1x256xf32> to vector<256x256xf32>
    %add3A_350 = arith.addf %dot_general3A_348, %add3A_349 : vector<256x256xf32>
    %dot_general3A_351 = arith.constant dense<0.000000e+00> : vector<256x256xf32>
    %dot_general3A_352 = tpu.matmul %max3A_346, %get3A_13, %dot_general3A_351 {dimension_numbers = #tpu.dot_dimension_numbers<[1], [0], [0], [1], [0, 0, 1, 1], [], []>, transpose_lhs_hint = false} : vector<256x256xf32>, vector<256x256xf32>, vector<256x256xf32> -> vector<256x256xf32>
    %add3A_353 = vector.broadcast %get3A_16 : vector<1x256xf32> to vector<256x256xf32>
    %add3A_354 = arith.addf %dot_general3A_352, %add3A_353 : vector<256x256xf32>
    %get3A_355 = arith.constant 3 : index
    %get3A_356 = arith.constant 0 : index
    %get3A_357 = arith.constant 0 : index
    %get3A_358 = vector.load %arg3[%get3A_355, %get3A_356, %get3A_357] : memref<5x256x512xf32, #tpu.memory_space<vmem>>, vector<1x256x512xf32>
    %get3A_359 = vector.shape_cast %get3A_358 : vector<1x256x512xf32> to vector<256x512xf32>
    %get3A_360 = arith.constant 0 : index
    %get3A_361 = arith.constant 0 : index
    %get3A_362 = vector.load %arg5[%get3A_360, %get3A_361] : memref<512x256xf32, #tpu.memory_space<vmem>>, vector<512x256xf32>
    %dot_general3A_363 = arith.constant dense<0.000000e+00> : vector<256x256xf32>
    %dot_general3A_364 = tpu.matmul %get3A_359, %get3A_362, %dot_general3A_363 {dimension_numbers = #tpu.dot_dimension_numbers<[1], [0], [0], [1], [0, 0, 1, 1], [], []>, transpose_lhs_hint = false} : vector<256x512xf32>, vector<512x256xf32>, vector<256x256xf32> -> vector<256x256xf32>
    %get3A_365 = arith.constant 0 : index
    %get3A_366 = arith.constant 0 : index
    %get3A_367 = vector.load %arg6[%get3A_365, %get3A_366] : memref<1x256xf32, #tpu.memory_space<vmem>>, vector<1x256xf32>
    %add3A_368 = vector.broadcast %get3A_367 : vector<1x256xf32> to vector<256x256xf32>
    %add3A_369 = arith.addf %dot_general3A_364, %add3A_368 : vector<256x256xf32>
    %get3A_370 = arith.constant 0 : index
    %get3A_371 = arith.constant 0 : index
    %get3A_372 = vector.load %arg7[%get3A_370, %get3A_371] : memref<1x256xf32, #tpu.memory_space<vmem>>, vector<1x256xf32>
    %get3A_373 = arith.constant 0 : index
    %get3A_374 = arith.constant 0 : index
    %get3A_375 = vector.load %arg8[%get3A_373, %get3A_374] : memref<1x256xf32, #tpu.memory_space<vmem>>, vector<1x256xf32>
    %reduce_sum3A_376 = arith.constant dense<0.000000e+00> : vector<256xf32>
    %reduce_sum3A_377 = vector.multi_reduction <add>, %add3A_369, %reduce_sum3A_376 [1] : vector<256x256xf32> to vector<256xf32>
    %broadcast_in_dim3A_378 = vector.shape_cast %reduce_sum3A_377 : vector<256xf32> to vector<256x1xf32>
    %div3A_379 = arith.constant 2.560000e+02 : f32
    %div3A_380 = vector.broadcast %div3A_379 : f32 to vector<256x1xf32>
    %div3A_381 = arith.divf %broadcast_in_dim3A_378, %div3A_380 : vector<256x1xf32>
    %sub3A_382 = vector.broadcast %div3A_381 : vector<256x1xf32> to vector<256x256xf32>
    %sub3A_383 = arith.subf %add3A_369, %sub3A_382 : vector<256x256xf32>
    %integer_pow3A_384 = arith.mulf %sub3A_383, %sub3A_383 : vector<256x256xf32>
    %reduce_sum3A_385 = arith.constant dense<0.000000e+00> : vector<256xf32>
    %reduce_sum3A_386 = vector.multi_reduction <add>, %integer_pow3A_384, %reduce_sum3A_385 [1] : vector<256x256xf32> to vector<256xf32>
    %broadcast_in_dim3A_387 = vector.shape_cast %reduce_sum3A_386 : vector<256xf32> to vector<256x1xf32>
    %div3A_388 = arith.constant 2.560000e+02 : f32
    %div3A_389 = vector.broadcast %div3A_388 : f32 to vector<256x1xf32>
    %div3A_390 = arith.divf %broadcast_in_dim3A_387, %div3A_389 : vector<256x1xf32>
    %sub3A_391 = vector.broadcast %div3A_381 : vector<256x1xf32> to vector<256x256xf32>
    %sub3A_392 = arith.subf %add3A_369, %sub3A_391 : vector<256x256xf32>
    %add3A_393 = arith.constant 9.99999974E-6 : f32
    %add3A_394 = vector.broadcast %add3A_393 : f32 to vector<256x1xf32>
    %add3A_395 = arith.addf %div3A_390, %add3A_394 : vector<256x1xf32>
    %sqrt3A_396 = math.sqrt %add3A_395 : vector<256x1xf32>
    %div3A_397 = vector.broadcast %sqrt3A_396 : vector<256x1xf32> to vector<256x256xf32>
    %div3A_398 = arith.divf %sub3A_392, %div3A_397 : vector<256x256xf32>
    %mul3A_399 = vector.broadcast %get3A_372 : vector<1x256xf32> to vector<256x256xf32>
    %mul3A_400 = arith.mulf %div3A_398, %mul3A_399 : vector<256x256xf32>
    %add3A_401 = vector.broadcast %get3A_375 : vector<1x256xf32> to vector<256x256xf32>
    %add3A_402 = arith.addf %mul3A_400, %add3A_401 : vector<256x256xf32>
    %max3A_403 = arith.constant 0.000000e+00 : f32
    %max3A_404 = vector.broadcast %max3A_403 : f32 to vector<256x256xf32>
    %max3A_405 = arith.maximumf %add3A_402, %max3A_404 : vector<256x256xf32>
    %get3A_406 = arith.constant 3 : index
    %get3A_407 = arith.constant 0 : index
    %get3A_408 = arith.constant 0 : index
    %get3A_409 = vector.load %arg4[%get3A_406, %get3A_407, %get3A_408] : memref<5x256x256xf32, #tpu.memory_space<vmem>>, vector<1x256x256xf32>
    %get3A_410 = vector.shape_cast %get3A_409 : vector<1x256x256xf32> to vector<256x256xf32>
    %get3A_411 = arith.constant 0 : index
    %get3A_412 = arith.constant 0 : index
    %get3A_413 = vector.load %arg9[%get3A_411, %get3A_412] : memref<256x256xf32, #tpu.memory_space<vmem>>, vector<256x256xf32>
    %dot_general3A_414 = arith.constant dense<0.000000e+00> : vector<256x256xf32>
    %dot_general3A_415 = tpu.matmul %get3A_410, %get3A_413, %dot_general3A_414 {dimension_numbers = #tpu.dot_dimension_numbers<[1], [0], [0], [1], [0, 0, 1, 1], [], []>, transpose_lhs_hint = false} : vector<256x256xf32>, vector<256x256xf32>, vector<256x256xf32> -> vector<256x256xf32>
    %get3A_416 = arith.constant 0 : index
    %get3A_417 = arith.constant 0 : index
    %get3A_418 = vector.load %arg10[%get3A_416, %get3A_417] : memref<1x256xf32, #tpu.memory_space<vmem>>, vector<1x256xf32>
    %add3A_419 = vector.broadcast %get3A_418 : vector<1x256xf32> to vector<256x256xf32>
    %add3A_420 = arith.addf %dot_general3A_415, %add3A_419 : vector<256x256xf32>
    %get3A_421 = arith.constant 0 : index
    %get3A_422 = arith.constant 0 : index
    %get3A_423 = vector.load %arg11[%get3A_421, %get3A_422] : memref<1x256xf32, #tpu.memory_space<vmem>>, vector<1x256xf32>
    %get3A_424 = arith.constant 0 : index
    %get3A_425 = arith.constant 0 : index
    %get3A_426 = vector.load %arg12[%get3A_424, %get3A_425] : memref<1x256xf32, #tpu.memory_space<vmem>>, vector<1x256xf32>
    %reduce_sum3A_427 = arith.constant dense<0.000000e+00> : vector<256xf32>
    %reduce_sum3A_428 = vector.multi_reduction <add>, %add3A_420, %reduce_sum3A_427 [1] : vector<256x256xf32> to vector<256xf32>
    %broadcast_in_dim3A_429 = vector.shape_cast %reduce_sum3A_428 : vector<256xf32> to vector<256x1xf32>
    %div3A_430 = arith.constant 2.560000e+02 : f32
    %div3A_431 = vector.broadcast %div3A_430 : f32 to vector<256x1xf32>
    %div3A_432 = arith.divf %broadcast_in_dim3A_429, %div3A_431 : vector<256x1xf32>
    %sub3A_433 = vector.broadcast %div3A_432 : vector<256x1xf32> to vector<256x256xf32>
    %sub3A_434 = arith.subf %add3A_420, %sub3A_433 : vector<256x256xf32>
    %integer_pow3A_435 = arith.mulf %sub3A_434, %sub3A_434 : vector<256x256xf32>
    %reduce_sum3A_436 = arith.constant dense<0.000000e+00> : vector<256xf32>
    %reduce_sum3A_437 = vector.multi_reduction <add>, %integer_pow3A_435, %reduce_sum3A_436 [1] : vector<256x256xf32> to vector<256xf32>
    %broadcast_in_dim3A_438 = vector.shape_cast %reduce_sum3A_437 : vector<256xf32> to vector<256x1xf32>
    %div3A_439 = arith.constant 2.560000e+02 : f32
    %div3A_440 = vector.broadcast %div3A_439 : f32 to vector<256x1xf32>
    %div3A_441 = arith.divf %broadcast_in_dim3A_438, %div3A_440 : vector<256x1xf32>
    %sub3A_442 = vector.broadcast %div3A_432 : vector<256x1xf32> to vector<256x256xf32>
    %sub3A_443 = arith.subf %add3A_420, %sub3A_442 : vector<256x256xf32>
    %add3A_444 = arith.constant 9.99999974E-6 : f32
    %add3A_445 = vector.broadcast %add3A_444 : f32 to vector<256x1xf32>
    %add3A_446 = arith.addf %div3A_441, %add3A_445 : vector<256x1xf32>
    %sqrt3A_447 = math.sqrt %add3A_446 : vector<256x1xf32>
    %div3A_448 = vector.broadcast %sqrt3A_447 : vector<256x1xf32> to vector<256x256xf32>
    %div3A_449 = arith.divf %sub3A_443, %div3A_448 : vector<256x256xf32>
    %mul3A_450 = vector.broadcast %get3A_423 : vector<1x256xf32> to vector<256x256xf32>
    %mul3A_451 = arith.mulf %div3A_449, %mul3A_450 : vector<256x256xf32>
    %add3A_452 = vector.broadcast %get3A_426 : vector<1x256xf32> to vector<256x256xf32>
    %add3A_453 = arith.addf %mul3A_451, %add3A_452 : vector<256x256xf32>
    %max3A_454 = arith.constant 0.000000e+00 : f32
    %max3A_455 = vector.broadcast %max3A_454 : f32 to vector<256x256xf32>
    %max3A_456 = arith.maximumf %add3A_453, %max3A_455 : vector<256x256xf32>
    %dot_general3A_457 = arith.constant dense<0.000000e+00> : vector<256x256xf32>
    %dot_general3A_458 = tpu.matmul %max3A_405, %get3A_7, %dot_general3A_457 {dimension_numbers = #tpu.dot_dimension_numbers<[1], [0], [0], [1], [0, 0, 1, 1], [], []>, transpose_lhs_hint = false} : vector<256x256xf32>, vector<256x256xf32>, vector<256x256xf32> -> vector<256x256xf32>
    %add3A_459 = vector.broadcast %get3A_10 : vector<1x256xf32> to vector<256x256xf32>
    %add3A_460 = arith.addf %dot_general3A_458, %add3A_459 : vector<256x256xf32>
    %dot_general3A_461 = arith.constant dense<0.000000e+00> : vector<256x256xf32>
    %dot_general3A_462 = tpu.matmul %max3A_456, %get3A_13, %dot_general3A_461 {dimension_numbers = #tpu.dot_dimension_numbers<[1], [0], [0], [1], [0, 0, 1, 1], [], []>, transpose_lhs_hint = false} : vector<256x256xf32>, vector<256x256xf32>, vector<256x256xf32> -> vector<256x256xf32>
    %add3A_463 = vector.broadcast %get3A_16 : vector<1x256xf32> to vector<256x256xf32>
    %add3A_464 = arith.addf %dot_general3A_462, %add3A_463 : vector<256x256xf32>
    %get3A_465 = arith.constant 4 : index
    %get3A_466 = arith.constant 0 : index
    %get3A_467 = arith.constant 0 : index
    %get3A_468 = vector.load %arg3[%get3A_465, %get3A_466, %get3A_467] : memref<5x256x512xf32, #tpu.memory_space<vmem>>, vector<1x256x512xf32>
    %get3A_469 = vector.shape_cast %get3A_468 : vector<1x256x512xf32> to vector<256x512xf32>
    %get3A_470 = arith.constant 0 : index
    %get3A_471 = arith.constant 0 : index
    %get3A_472 = vector.load %arg5[%get3A_470, %get3A_471] : memref<512x256xf32, #tpu.memory_space<vmem>>, vector<512x256xf32>
    %dot_general3A_473 = arith.constant dense<0.000000e+00> : vector<256x256xf32>
    %dot_general3A_474 = tpu.matmul %get3A_469, %get3A_472, %dot_general3A_473 {dimension_numbers = #tpu.dot_dimension_numbers<[1], [0], [0], [1], [0, 0, 1, 1], [], []>, transpose_lhs_hint = false} : vector<256x512xf32>, vector<512x256xf32>, vector<256x256xf32> -> vector<256x256xf32>
    %get3A_475 = arith.constant 0 : index
    %get3A_476 = arith.constant 0 : index
    %get3A_477 = vector.load %arg6[%get3A_475, %get3A_476] : memref<1x256xf32, #tpu.memory_space<vmem>>, vector<1x256xf32>
    %add3A_478 = vector.broadcast %get3A_477 : vector<1x256xf32> to vector<256x256xf32>
    %add3A_479 = arith.addf %dot_general3A_474, %add3A_478 : vector<256x256xf32>
    %get3A_480 = arith.constant 0 : index
    %get3A_481 = arith.constant 0 : index
    %get3A_482 = vector.load %arg7[%get3A_480, %get3A_481] : memref<1x256xf32, #tpu.memory_space<vmem>>, vector<1x256xf32>
    %get3A_483 = arith.constant 0 : index
    %get3A_484 = arith.constant 0 : index
    %get3A_485 = vector.load %arg8[%get3A_483, %get3A_484] : memref<1x256xf32, #tpu.memory_space<vmem>>, vector<1x256xf32>
    %reduce_sum3A_486 = arith.constant dense<0.000000e+00> : vector<256xf32>
    %reduce_sum3A_487 = vector.multi_reduction <add>, %add3A_479, %reduce_sum3A_486 [1] : vector<256x256xf32> to vector<256xf32>
    %broadcast_in_dim3A_488 = vector.shape_cast %reduce_sum3A_487 : vector<256xf32> to vector<256x1xf32>
    %div3A_489 = arith.constant 2.560000e+02 : f32
    %div3A_490 = vector.broadcast %div3A_489 : f32 to vector<256x1xf32>
    %div3A_491 = arith.divf %broadcast_in_dim3A_488, %div3A_490 : vector<256x1xf32>
    %sub3A_492 = vector.broadcast %div3A_491 : vector<256x1xf32> to vector<256x256xf32>
    %sub3A_493 = arith.subf %add3A_479, %sub3A_492 : vector<256x256xf32>
    %integer_pow3A_494 = arith.mulf %sub3A_493, %sub3A_493 : vector<256x256xf32>
    %reduce_sum3A_495 = arith.constant dense<0.000000e+00> : vector<256xf32>
    %reduce_sum3A_496 = vector.multi_reduction <add>, %integer_pow3A_494, %reduce_sum3A_495 [1] : vector<256x256xf32> to vector<256xf32>
    %broadcast_in_dim3A_497 = vector.shape_cast %reduce_sum3A_496 : vector<256xf32> to vector<256x1xf32>
    %div3A_498 = arith.constant 2.560000e+02 : f32
    %div3A_499 = vector.broadcast %div3A_498 : f32 to vector<256x1xf32>
    %div3A_500 = arith.divf %broadcast_in_dim3A_497, %div3A_499 : vector<256x1xf32>
    %sub3A_501 = vector.broadcast %div3A_491 : vector<256x1xf32> to vector<256x256xf32>
    %sub3A_502 = arith.subf %add3A_479, %sub3A_501 : vector<256x256xf32>
    %add3A_503 = arith.constant 9.99999974E-6 : f32
    %add3A_504 = vector.broadcast %add3A_503 : f32 to vector<256x1xf32>
    %add3A_505 = arith.addf %div3A_500, %add3A_504 : vector<256x1xf32>
    %sqrt3A_506 = math.sqrt %add3A_505 : vector<256x1xf32>
    %div3A_507 = vector.broadcast %sqrt3A_506 : vector<256x1xf32> to vector<256x256xf32>
    %div3A_508 = arith.divf %sub3A_502, %div3A_507 : vector<256x256xf32>
    %mul3A_509 = vector.broadcast %get3A_482 : vector<1x256xf32> to vector<256x256xf32>
    %mul3A_510 = arith.mulf %div3A_508, %mul3A_509 : vector<256x256xf32>
    %add3A_511 = vector.broadcast %get3A_485 : vector<1x256xf32> to vector<256x256xf32>
    %add3A_512 = arith.addf %mul3A_510, %add3A_511 : vector<256x256xf32>
    %max3A_513 = arith.constant 0.000000e+00 : f32
    %max3A_514 = vector.broadcast %max3A_513 : f32 to vector<256x256xf32>
    %max3A_515 = arith.maximumf %add3A_512, %max3A_514 : vector<256x256xf32>
    %get3A_516 = arith.constant 4 : index
    %get3A_517 = arith.constant 0 : index
    %get3A_518 = arith.constant 0 : index
    %get3A_519 = vector.load %arg4[%get3A_516, %get3A_517, %get3A_518] : memref<5x256x256xf32, #tpu.memory_space<vmem>>, vector<1x256x256xf32>
    %get3A_520 = vector.shape_cast %get3A_519 : vector<1x256x256xf32> to vector<256x256xf32>
    %get3A_521 = arith.constant 0 : index
    %get3A_522 = arith.constant 0 : index
    %get3A_523 = vector.load %arg9[%get3A_521, %get3A_522] : memref<256x256xf32, #tpu.memory_space<vmem>>, vector<256x256xf32>
    %dot_general3A_524 = arith.constant dense<0.000000e+00> : vector<256x256xf32>
    %dot_general3A_525 = tpu.matmul %get3A_520, %get3A_523, %dot_general3A_524 {dimension_numbers = #tpu.dot_dimension_numbers<[1], [0], [0], [1], [0, 0, 1, 1], [], []>, transpose_lhs_hint = false} : vector<256x256xf32>, vector<256x256xf32>, vector<256x256xf32> -> vector<256x256xf32>
    %get3A_526 = arith.constant 0 : index
    %get3A_527 = arith.constant 0 : index
    %get3A_528 = vector.load %arg10[%get3A_526, %get3A_527] : memref<1x256xf32, #tpu.memory_space<vmem>>, vector<1x256xf32>
    %add3A_529 = vector.broadcast %get3A_528 : vector<1x256xf32> to vector<256x256xf32>
    %add3A_530 = arith.addf %dot_general3A_525, %add3A_529 : vector<256x256xf32>
    %get3A_531 = arith.constant 0 : index
    %get3A_532 = arith.constant 0 : index
    %get3A_533 = vector.load %arg11[%get3A_531, %get3A_532] : memref<1x256xf32, #tpu.memory_space<vmem>>, vector<1x256xf32>
    %get3A_534 = arith.constant 0 : index
    %get3A_535 = arith.constant 0 : index
    %get3A_536 = vector.load %arg12[%get3A_534, %get3A_535] : memref<1x256xf32, #tpu.memory_space<vmem>>, vector<1x256xf32>
    %reduce_sum3A_537 = arith.constant dense<0.000000e+00> : vector<256xf32>
    %reduce_sum3A_538 = vector.multi_reduction <add>, %add3A_530, %reduce_sum3A_537 [1] : vector<256x256xf32> to vector<256xf32>
    %broadcast_in_dim3A_539 = vector.shape_cast %reduce_sum3A_538 : vector<256xf32> to vector<256x1xf32>
    %div3A_540 = arith.constant 2.560000e+02 : f32
    %div3A_541 = vector.broadcast %div3A_540 : f32 to vector<256x1xf32>
    %div3A_542 = arith.divf %broadcast_in_dim3A_539, %div3A_541 : vector<256x1xf32>
    %sub3A_543 = vector.broadcast %div3A_542 : vector<256x1xf32> to vector<256x256xf32>
    %sub3A_544 = arith.subf %add3A_530, %sub3A_543 : vector<256x256xf32>
    %integer_pow3A_545 = arith.mulf %sub3A_544, %sub3A_544 : vector<256x256xf32>
    %reduce_sum3A_546 = arith.constant dense<0.000000e+00> : vector<256xf32>
    %reduce_sum3A_547 = vector.multi_reduction <add>, %integer_pow3A_545, %reduce_sum3A_546 [1] : vector<256x256xf32> to vector<256xf32>
    %broadcast_in_dim3A_548 = vector.shape_cast %reduce_sum3A_547 : vector<256xf32> to vector<256x1xf32>
    %div3A_549 = arith.constant 2.560000e+02 : f32
    %div3A_550 = vector.broadcast %div3A_549 : f32 to vector<256x1xf32>
    %div3A_551 = arith.divf %broadcast_in_dim3A_548, %div3A_550 : vector<256x1xf32>
    %sub3A_552 = vector.broadcast %div3A_542 : vector<256x1xf32> to vector<256x256xf32>
    %sub3A_553 = arith.subf %add3A_530, %sub3A_552 : vector<256x256xf32>
    %add3A_554 = arith.constant 9.99999974E-6 : f32
    %add3A_555 = vector.broadcast %add3A_554 : f32 to vector<256x1xf32>
    %add3A_556 = arith.addf %div3A_551, %add3A_555 : vector<256x1xf32>
    %sqrt3A_557 = math.sqrt %add3A_556 : vector<256x1xf32>
    %div3A_558 = vector.broadcast %sqrt3A_557 : vector<256x1xf32> to vector<256x256xf32>
    %div3A_559 = arith.divf %sub3A_553, %div3A_558 : vector<256x256xf32>
    %mul3A_560 = vector.broadcast %get3A_533 : vector<1x256xf32> to vector<256x256xf32>
    %mul3A_561 = arith.mulf %div3A_559, %mul3A_560 : vector<256x256xf32>
    %add3A_562 = vector.broadcast %get3A_536 : vector<1x256xf32> to vector<256x256xf32>
    %add3A_563 = arith.addf %mul3A_561, %add3A_562 : vector<256x256xf32>
    %max3A_564 = arith.constant 0.000000e+00 : f32
    %max3A_565 = vector.broadcast %max3A_564 : f32 to vector<256x256xf32>
    %max3A_566 = arith.maximumf %add3A_563, %max3A_565 : vector<256x256xf32>
    %dot_general3A_567 = arith.constant dense<0.000000e+00> : vector<256x256xf32>
    %dot_general3A_568 = tpu.matmul %max3A_515, %get3A_7, %dot_general3A_567 {dimension_numbers = #tpu.dot_dimension_numbers<[1], [0], [0], [1], [0, 0, 1, 1], [], []>, transpose_lhs_hint = false} : vector<256x256xf32>, vector<256x256xf32>, vector<256x256xf32> -> vector<256x256xf32>
    %add3A_569 = vector.broadcast %get3A_10 : vector<1x256xf32> to vector<256x256xf32>
    %add3A_570 = arith.addf %dot_general3A_568, %add3A_569 : vector<256x256xf32>
    %dot_general3A_571 = arith.constant dense<0.000000e+00> : vector<256x256xf32>
    %dot_general3A_572 = tpu.matmul %max3A_566, %get3A_13, %dot_general3A_571 {dimension_numbers = #tpu.dot_dimension_numbers<[1], [0], [0], [1], [0, 0, 1, 1], [], []>, transpose_lhs_hint = false} : vector<256x256xf32>, vector<256x256xf32>, vector<256x256xf32> -> vector<256x256xf32>
    %add3A_573 = vector.broadcast %get3A_16 : vector<1x256xf32> to vector<256x256xf32>
    %add3A_574 = arith.addf %dot_general3A_572, %add3A_573 : vector<256x256xf32>
    %slice3A = vector.extract_strided_slice %add3A_24 {offsets = [0, 0], sizes = [256, 64], strides = [1, 1]} : vector<256x256xf32> to vector<256x64xf32>
    %slice3A_575 = vector.extract_strided_slice %add3A_28 {offsets = [0, 0], sizes = [256, 64], strides = [1, 1]} : vector<256x256xf32> to vector<256x64xf32>
    %mul3A_576 = arith.mulf %slice3A, %slice3A_575 : vector<256x64xf32>
    %reduce_sum3A_577 = arith.constant dense<0.000000e+00> : vector<256xf32>
    %reduce_sum3A_578 = vector.multi_reduction <add>, %mul3A_576, %reduce_sum3A_577 [1] : vector<256x64xf32> to vector<256xf32>
    %broadcast_in_dim3A_579 = vector.shape_cast %reduce_sum3A_578 : vector<256xf32> to vector<256x1xf32>
    %slice3A_580 = vector.extract_strided_slice %add3A_130 {offsets = [0, 0], sizes = [256, 64], strides = [1, 1]} : vector<256x256xf32> to vector<256x64xf32>
    %mul3A_581 = arith.mulf %slice3A, %slice3A_580 : vector<256x64xf32>
    %reduce_sum3A_582 = arith.constant dense<0.000000e+00> : vector<256xf32>
    %reduce_sum3A_583 = vector.multi_reduction <add>, %mul3A_581, %reduce_sum3A_582 [1] : vector<256x64xf32> to vector<256xf32>
    %broadcast_in_dim3A_584 = vector.shape_cast %reduce_sum3A_583 : vector<256xf32> to vector<256x1xf32>
    %slice3A_585 = vector.extract_strided_slice %add3A_240 {offsets = [0, 0], sizes = [256, 64], strides = [1, 1]} : vector<256x256xf32> to vector<256x64xf32>
    %mul3A_586 = arith.mulf %slice3A, %slice3A_585 : vector<256x64xf32>
    %reduce_sum3A_587 = arith.constant dense<0.000000e+00> : vector<256xf32>
    %reduce_sum3A_588 = vector.multi_reduction <add>, %mul3A_586, %reduce_sum3A_587 [1] : vector<256x64xf32> to vector<256xf32>
    %broadcast_in_dim3A_589 = vector.shape_cast %reduce_sum3A_588 : vector<256xf32> to vector<256x1xf32>
    %slice3A_590 = vector.extract_strided_slice %add3A_350 {offsets = [0, 0], sizes = [256, 64], strides = [1, 1]} : vector<256x256xf32> to vector<256x64xf32>
    %mul3A_591 = arith.mulf %slice3A, %slice3A_590 : vector<256x64xf32>
    %reduce_sum3A_592 = arith.constant dense<0.000000e+00> : vector<256xf32>
    %reduce_sum3A_593 = vector.multi_reduction <add>, %mul3A_591, %reduce_sum3A_592 [1] : vector<256x64xf32> to vector<256xf32>
    %broadcast_in_dim3A_594 = vector.shape_cast %reduce_sum3A_593 : vector<256xf32> to vector<256x1xf32>
    %slice3A_595 = vector.extract_strided_slice %add3A_460 {offsets = [0, 0], sizes = [256, 64], strides = [1, 1]} : vector<256x256xf32> to vector<256x64xf32>
    %mul3A_596 = arith.mulf %slice3A, %slice3A_595 : vector<256x64xf32>
    %reduce_sum3A_597 = arith.constant dense<0.000000e+00> : vector<256xf32>
    %reduce_sum3A_598 = vector.multi_reduction <add>, %mul3A_596, %reduce_sum3A_597 [1] : vector<256x64xf32> to vector<256xf32>
    %broadcast_in_dim3A_599 = vector.shape_cast %reduce_sum3A_598 : vector<256xf32> to vector<256x1xf32>
    %slice3A_600 = vector.extract_strided_slice %add3A_570 {offsets = [0, 0], sizes = [256, 64], strides = [1, 1]} : vector<256x256xf32> to vector<256x64xf32>
    %mul3A_601 = arith.mulf %slice3A, %slice3A_600 : vector<256x64xf32>
    %reduce_sum3A_602 = arith.constant dense<0.000000e+00> : vector<256xf32>
    %reduce_sum3A_603 = vector.multi_reduction <add>, %mul3A_601, %reduce_sum3A_602 [1] : vector<256x64xf32> to vector<256xf32>
    %broadcast_in_dim3A_604 = vector.shape_cast %reduce_sum3A_603 : vector<256xf32> to vector<256x1xf32>
    %concatenate3A = tpu.concatenate %broadcast_in_dim3A_579, %broadcast_in_dim3A_584, %broadcast_in_dim3A_589, %broadcast_in_dim3A_594, %broadcast_in_dim3A_599, %broadcast_in_dim3A_604 in 1 : vector<256x1xf32>, vector<256x1xf32>, vector<256x1xf32>, vector<256x1xf32>, vector<256x1xf32>, vector<256x1xf32> -> vector<256x6xf32>
    %mul3A_605 = arith.constant 1.250000e-01 : f32
    %mul3A_606 = vector.broadcast %mul3A_605 : f32 to vector<256x6xf32>
    %mul3A_607 = arith.mulf %concatenate3A, %mul3A_606 : vector<256x6xf32>
    %reduce_max3A = arith.constant dense<0xFF800000> : vector<256xf32>
    %reduce_max3A_608 = vector.multi_reduction <maximumf>, %mul3A_607, %reduce_max3A [1] : vector<256x6xf32> to vector<256xf32>
    %broadcast_in_dim3A_609 = vector.shape_cast %reduce_max3A_608 : vector<256xf32> to vector<256x1xf32>
    %sub3A_610 = vector.broadcast %broadcast_in_dim3A_609 : vector<256x1xf32> to vector<256x6xf32>
    %sub3A_611 = arith.subf %mul3A_607, %sub3A_610 : vector<256x6xf32>
    %exp3A = math.exp %sub3A_611 : vector<256x6xf32>
    %reduce_sum3A_612 = arith.constant dense<0.000000e+00> : vector<256xf32>
    %reduce_sum3A_613 = vector.multi_reduction <add>, %exp3A, %reduce_sum3A_612 [1] : vector<256x6xf32> to vector<256xf32>
    %broadcast_in_dim3A_614 = vector.shape_cast %reduce_sum3A_613 : vector<256xf32> to vector<256x1xf32>
    %div3A_615 = vector.broadcast %broadcast_in_dim3A_614 : vector<256x1xf32> to vector<256x6xf32>
    %div3A_616 = arith.divf %exp3A, %div3A_615 : vector<256x6xf32>
    %slice3A_617 = vector.extract_strided_slice %div3A_616 {offsets = [0, 0], sizes = [256, 1], strides = [1, 1]} : vector<256x6xf32> to vector<256x1xf32>
    %slice3A_618 = vector.extract_strided_slice %add3A_32 {offsets = [0, 0], sizes = [256, 64], strides = [1, 1]} : vector<256x256xf32> to vector<256x64xf32>
    %mul3A_619 = vector.broadcast %slice3A_617 : vector<256x1xf32> to vector<256x64xf32>
    %mul3A_620 = arith.mulf %mul3A_619, %slice3A_618 : vector<256x64xf32>
    %slice3A_621 = vector.extract_strided_slice %div3A_616 {offsets = [0, 1], sizes = [256, 1], strides = [1, 1]} : vector<256x6xf32> to vector<256x1xf32>
    %slice3A_622 = vector.extract_strided_slice %add3A_134 {offsets = [0, 0], sizes = [256, 64], strides = [1, 1]} : vector<256x256xf32> to vector<256x64xf32>
    %mul3A_623 = vector.broadcast %slice3A_621 : vector<256x1xf32> to vector<256x64xf32>
    %mul3A_624 = arith.mulf %mul3A_623, %slice3A_622 : vector<256x64xf32>
    %add3A_625 = arith.addf %mul3A_620, %mul3A_624 : vector<256x64xf32>
    %slice3A_626 = vector.extract_strided_slice %div3A_616 {offsets = [0, 2], sizes = [256, 1], strides = [1, 1]} : vector<256x6xf32> to vector<256x1xf32>
    %slice3A_627 = vector.extract_strided_slice %add3A_244 {offsets = [0, 0], sizes = [256, 64], strides = [1, 1]} : vector<256x256xf32> to vector<256x64xf32>
    %mul3A_628 = vector.broadcast %slice3A_626 : vector<256x1xf32> to vector<256x64xf32>
    %mul3A_629 = arith.mulf %mul3A_628, %slice3A_627 : vector<256x64xf32>
    %add3A_630 = arith.addf %add3A_625, %mul3A_629 : vector<256x64xf32>
    %slice3A_631 = vector.extract_strided_slice %div3A_616 {offsets = [0, 3], sizes = [256, 1], strides = [1, 1]} : vector<256x6xf32> to vector<256x1xf32>
    %slice3A_632 = vector.extract_strided_slice %add3A_354 {offsets = [0, 0], sizes = [256, 64], strides = [1, 1]} : vector<256x256xf32> to vector<256x64xf32>
    %mul3A_633 = vector.broadcast %slice3A_631 : vector<256x1xf32> to vector<256x64xf32>
    %mul3A_634 = arith.mulf %mul3A_633, %slice3A_632 : vector<256x64xf32>
    %add3A_635 = arith.addf %add3A_630, %mul3A_634 : vector<256x64xf32>
    %slice3A_636 = vector.extract_strided_slice %div3A_616 {offsets = [0, 4], sizes = [256, 1], strides = [1, 1]} : vector<256x6xf32> to vector<256x1xf32>
    %slice3A_637 = vector.extract_strided_slice %add3A_464 {offsets = [0, 0], sizes = [256, 64], strides = [1, 1]} : vector<256x256xf32> to vector<256x64xf32>
    %mul3A_638 = vector.broadcast %slice3A_636 : vector<256x1xf32> to vector<256x64xf32>
    %mul3A_639 = arith.mulf %mul3A_638, %slice3A_637 : vector<256x64xf32>
    %add3A_640 = arith.addf %add3A_635, %mul3A_639 : vector<256x64xf32>
    %slice3A_641 = vector.extract_strided_slice %div3A_616 {offsets = [0, 5], sizes = [256, 1], strides = [1, 1]} : vector<256x6xf32> to vector<256x1xf32>
    %slice3A_642 = vector.extract_strided_slice %add3A_574 {offsets = [0, 0], sizes = [256, 64], strides = [1, 1]} : vector<256x256xf32> to vector<256x64xf32>
    %mul3A_643 = vector.broadcast %slice3A_641 : vector<256x1xf32> to vector<256x64xf32>
    %mul3A_644 = arith.mulf %mul3A_643, %slice3A_642 : vector<256x64xf32>
    %add3A_645 = arith.addf %add3A_640, %mul3A_644 : vector<256x64xf32>
    %slice3A_646 = vector.extract_strided_slice %add3A_24 {offsets = [0, 64], sizes = [256, 64], strides = [1, 1]} : vector<256x256xf32> to vector<256x64xf32>
    %slice3A_647 = vector.extract_strided_slice %add3A_28 {offsets = [0, 64], sizes = [256, 64], strides = [1, 1]} : vector<256x256xf32> to vector<256x64xf32>
    %mul3A_648 = arith.mulf %slice3A_646, %slice3A_647 : vector<256x64xf32>
    %reduce_sum3A_649 = arith.constant dense<0.000000e+00> : vector<256xf32>
    %reduce_sum3A_650 = vector.multi_reduction <add>, %mul3A_648, %reduce_sum3A_649 [1] : vector<256x64xf32> to vector<256xf32>
    %broadcast_in_dim3A_651 = vector.shape_cast %reduce_sum3A_650 : vector<256xf32> to vector<256x1xf32>
    %slice3A_652 = vector.extract_strided_slice %add3A_130 {offsets = [0, 64], sizes = [256, 64], strides = [1, 1]} : vector<256x256xf32> to vector<256x64xf32>
    %mul3A_653 = arith.mulf %slice3A_646, %slice3A_652 : vector<256x64xf32>
    %reduce_sum3A_654 = arith.constant dense<0.000000e+00> : vector<256xf32>
    %reduce_sum3A_655 = vector.multi_reduction <add>, %mul3A_653, %reduce_sum3A_654 [1] : vector<256x64xf32> to vector<256xf32>
    %broadcast_in_dim3A_656 = vector.shape_cast %reduce_sum3A_655 : vector<256xf32> to vector<256x1xf32>
    %slice3A_657 = vector.extract_strided_slice %add3A_240 {offsets = [0, 64], sizes = [256, 64], strides = [1, 1]} : vector<256x256xf32> to vector<256x64xf32>
    %mul3A_658 = arith.mulf %slice3A_646, %slice3A_657 : vector<256x64xf32>
    %reduce_sum3A_659 = arith.constant dense<0.000000e+00> : vector<256xf32>
    %reduce_sum3A_660 = vector.multi_reduction <add>, %mul3A_658, %reduce_sum3A_659 [1] : vector<256x64xf32> to vector<256xf32>
    %broadcast_in_dim3A_661 = vector.shape_cast %reduce_sum3A_660 : vector<256xf32> to vector<256x1xf32>
    %slice3A_662 = vector.extract_strided_slice %add3A_350 {offsets = [0, 64], sizes = [256, 64], strides = [1, 1]} : vector<256x256xf32> to vector<256x64xf32>
    %mul3A_663 = arith.mulf %slice3A_646, %slice3A_662 : vector<256x64xf32>
    %reduce_sum3A_664 = arith.constant dense<0.000000e+00> : vector<256xf32>
    %reduce_sum3A_665 = vector.multi_reduction <add>, %mul3A_663, %reduce_sum3A_664 [1] : vector<256x64xf32> to vector<256xf32>
    %broadcast_in_dim3A_666 = vector.shape_cast %reduce_sum3A_665 : vector<256xf32> to vector<256x1xf32>
    %slice3A_667 = vector.extract_strided_slice %add3A_460 {offsets = [0, 64], sizes = [256, 64], strides = [1, 1]} : vector<256x256xf32> to vector<256x64xf32>
    %mul3A_668 = arith.mulf %slice3A_646, %slice3A_667 : vector<256x64xf32>
    %reduce_sum3A_669 = arith.constant dense<0.000000e+00> : vector<256xf32>
    %reduce_sum3A_670 = vector.multi_reduction <add>, %mul3A_668, %reduce_sum3A_669 [1] : vector<256x64xf32> to vector<256xf32>
    %broadcast_in_dim3A_671 = vector.shape_cast %reduce_sum3A_670 : vector<256xf32> to vector<256x1xf32>
    %slice3A_672 = vector.extract_strided_slice %add3A_570 {offsets = [0, 64], sizes = [256, 64], strides = [1, 1]} : vector<256x256xf32> to vector<256x64xf32>
    %mul3A_673 = arith.mulf %slice3A_646, %slice3A_672 : vector<256x64xf32>
    %reduce_sum3A_674 = arith.constant dense<0.000000e+00> : vector<256xf32>
    %reduce_sum3A_675 = vector.multi_reduction <add>, %mul3A_673, %reduce_sum3A_674 [1] : vector<256x64xf32> to vector<256xf32>
    %broadcast_in_dim3A_676 = vector.shape_cast %reduce_sum3A_675 : vector<256xf32> to vector<256x1xf32>
    %concatenate3A_677 = tpu.concatenate %broadcast_in_dim3A_651, %broadcast_in_dim3A_656, %broadcast_in_dim3A_661, %broadcast_in_dim3A_666, %broadcast_in_dim3A_671, %broadcast_in_dim3A_676 in 1 : vector<256x1xf32>, vector<256x1xf32>, vector<256x1xf32>, vector<256x1xf32>, vector<256x1xf32>, vector<256x1xf32> -> vector<256x6xf32>
    %mul3A_678 = arith.constant 1.250000e-01 : f32
    %mul3A_679 = vector.broadcast %mul3A_678 : f32 to vector<256x6xf32>
    %mul3A_680 = arith.mulf %concatenate3A_677, %mul3A_679 : vector<256x6xf32>
    %reduce_max3A_681 = arith.constant dense<0xFF800000> : vector<256xf32>
    %reduce_max3A_682 = vector.multi_reduction <maximumf>, %mul3A_680, %reduce_max3A_681 [1] : vector<256x6xf32> to vector<256xf32>
    %broadcast_in_dim3A_683 = vector.shape_cast %reduce_max3A_682 : vector<256xf32> to vector<256x1xf32>
    %sub3A_684 = vector.broadcast %broadcast_in_dim3A_683 : vector<256x1xf32> to vector<256x6xf32>
    %sub3A_685 = arith.subf %mul3A_680, %sub3A_684 : vector<256x6xf32>
    %exp3A_686 = math.exp %sub3A_685 : vector<256x6xf32>
    %reduce_sum3A_687 = arith.constant dense<0.000000e+00> : vector<256xf32>
    %reduce_sum3A_688 = vector.multi_reduction <add>, %exp3A_686, %reduce_sum3A_687 [1] : vector<256x6xf32> to vector<256xf32>
    %broadcast_in_dim3A_689 = vector.shape_cast %reduce_sum3A_688 : vector<256xf32> to vector<256x1xf32>
    %div3A_690 = vector.broadcast %broadcast_in_dim3A_689 : vector<256x1xf32> to vector<256x6xf32>
    %div3A_691 = arith.divf %exp3A_686, %div3A_690 : vector<256x6xf32>
    %slice3A_692 = vector.extract_strided_slice %div3A_691 {offsets = [0, 0], sizes = [256, 1], strides = [1, 1]} : vector<256x6xf32> to vector<256x1xf32>
    %slice3A_693 = vector.extract_strided_slice %add3A_32 {offsets = [0, 64], sizes = [256, 64], strides = [1, 1]} : vector<256x256xf32> to vector<256x64xf32>
    %mul3A_694 = vector.broadcast %slice3A_692 : vector<256x1xf32> to vector<256x64xf32>
    %mul3A_695 = arith.mulf %mul3A_694, %slice3A_693 : vector<256x64xf32>
    %slice3A_696 = vector.extract_strided_slice %div3A_691 {offsets = [0, 1], sizes = [256, 1], strides = [1, 1]} : vector<256x6xf32> to vector<256x1xf32>
    %slice3A_697 = vector.extract_strided_slice %add3A_134 {offsets = [0, 64], sizes = [256, 64], strides = [1, 1]} : vector<256x256xf32> to vector<256x64xf32>
    %mul3A_698 = vector.broadcast %slice3A_696 : vector<256x1xf32> to vector<256x64xf32>
    %mul3A_699 = arith.mulf %mul3A_698, %slice3A_697 : vector<256x64xf32>
    %add3A_700 = arith.addf %mul3A_695, %mul3A_699 : vector<256x64xf32>
    %slice3A_701 = vector.extract_strided_slice %div3A_691 {offsets = [0, 2], sizes = [256, 1], strides = [1, 1]} : vector<256x6xf32> to vector<256x1xf32>
    %slice3A_702 = vector.extract_strided_slice %add3A_244 {offsets = [0, 64], sizes = [256, 64], strides = [1, 1]} : vector<256x256xf32> to vector<256x64xf32>
    %mul3A_703 = vector.broadcast %slice3A_701 : vector<256x1xf32> to vector<256x64xf32>
    %mul3A_704 = arith.mulf %mul3A_703, %slice3A_702 : vector<256x64xf32>
    %add3A_705 = arith.addf %add3A_700, %mul3A_704 : vector<256x64xf32>
    %slice3A_706 = vector.extract_strided_slice %div3A_691 {offsets = [0, 3], sizes = [256, 1], strides = [1, 1]} : vector<256x6xf32> to vector<256x1xf32>
    %slice3A_707 = vector.extract_strided_slice %add3A_354 {offsets = [0, 64], sizes = [256, 64], strides = [1, 1]} : vector<256x256xf32> to vector<256x64xf32>
    %mul3A_708 = vector.broadcast %slice3A_706 : vector<256x1xf32> to vector<256x64xf32>
    %mul3A_709 = arith.mulf %mul3A_708, %slice3A_707 : vector<256x64xf32>
    %add3A_710 = arith.addf %add3A_705, %mul3A_709 : vector<256x64xf32>
    %slice3A_711 = vector.extract_strided_slice %div3A_691 {offsets = [0, 4], sizes = [256, 1], strides = [1, 1]} : vector<256x6xf32> to vector<256x1xf32>
    %slice3A_712 = vector.extract_strided_slice %add3A_464 {offsets = [0, 64], sizes = [256, 64], strides = [1, 1]} : vector<256x256xf32> to vector<256x64xf32>
    %mul3A_713 = vector.broadcast %slice3A_711 : vector<256x1xf32> to vector<256x64xf32>
    %mul3A_714 = arith.mulf %mul3A_713, %slice3A_712 : vector<256x64xf32>
    %add3A_715 = arith.addf %add3A_710, %mul3A_714 : vector<256x64xf32>
    %slice3A_716 = vector.extract_strided_slice %div3A_691 {offsets = [0, 5], sizes = [256, 1], strides = [1, 1]} : vector<256x6xf32> to vector<256x1xf32>
    %slice3A_717 = vector.extract_strided_slice %add3A_574 {offsets = [0, 64], sizes = [256, 64], strides = [1, 1]} : vector<256x256xf32> to vector<256x64xf32>
    %mul3A_718 = vector.broadcast %slice3A_716 : vector<256x1xf32> to vector<256x64xf32>
    %mul3A_719 = arith.mulf %mul3A_718, %slice3A_717 : vector<256x64xf32>
    %add3A_720 = arith.addf %add3A_715, %mul3A_719 : vector<256x64xf32>
    %slice3A_721 = vector.extract_strided_slice %add3A_24 {offsets = [0, 128], sizes = [256, 64], strides = [1, 1]} : vector<256x256xf32> to vector<256x64xf32>
    %slice3A_722 = vector.extract_strided_slice %add3A_28 {offsets = [0, 128], sizes = [256, 64], strides = [1, 1]} : vector<256x256xf32> to vector<256x64xf32>
    %mul3A_723 = arith.mulf %slice3A_721, %slice3A_722 : vector<256x64xf32>
    %reduce_sum3A_724 = arith.constant dense<0.000000e+00> : vector<256xf32>
    %reduce_sum3A_725 = vector.multi_reduction <add>, %mul3A_723, %reduce_sum3A_724 [1] : vector<256x64xf32> to vector<256xf32>
    %broadcast_in_dim3A_726 = vector.shape_cast %reduce_sum3A_725 : vector<256xf32> to vector<256x1xf32>
    %slice3A_727 = vector.extract_strided_slice %add3A_130 {offsets = [0, 128], sizes = [256, 64], strides = [1, 1]} : vector<256x256xf32> to vector<256x64xf32>
    %mul3A_728 = arith.mulf %slice3A_721, %slice3A_727 : vector<256x64xf32>
    %reduce_sum3A_729 = arith.constant dense<0.000000e+00> : vector<256xf32>
    %reduce_sum3A_730 = vector.multi_reduction <add>, %mul3A_728, %reduce_sum3A_729 [1] : vector<256x64xf32> to vector<256xf32>
    %broadcast_in_dim3A_731 = vector.shape_cast %reduce_sum3A_730 : vector<256xf32> to vector<256x1xf32>
    %slice3A_732 = vector.extract_strided_slice %add3A_240 {offsets = [0, 128], sizes = [256, 64], strides = [1, 1]} : vector<256x256xf32> to vector<256x64xf32>
    %mul3A_733 = arith.mulf %slice3A_721, %slice3A_732 : vector<256x64xf32>
    %reduce_sum3A_734 = arith.constant dense<0.000000e+00> : vector<256xf32>
    %reduce_sum3A_735 = vector.multi_reduction <add>, %mul3A_733, %reduce_sum3A_734 [1] : vector<256x64xf32> to vector<256xf32>
    %broadcast_in_dim3A_736 = vector.shape_cast %reduce_sum3A_735 : vector<256xf32> to vector<256x1xf32>
    %slice3A_737 = vector.extract_strided_slice %add3A_350 {offsets = [0, 128], sizes = [256, 64], strides = [1, 1]} : vector<256x256xf32> to vector<256x64xf32>
    %mul3A_738 = arith.mulf %slice3A_721, %slice3A_737 : vector<256x64xf32>
    %reduce_sum3A_739 = arith.constant dense<0.000000e+00> : vector<256xf32>
    %reduce_sum3A_740 = vector.multi_reduction <add>, %mul3A_738, %reduce_sum3A_739 [1] : vector<256x64xf32> to vector<256xf32>
    %broadcast_in_dim3A_741 = vector.shape_cast %reduce_sum3A_740 : vector<256xf32> to vector<256x1xf32>
    %slice3A_742 = vector.extract_strided_slice %add3A_460 {offsets = [0, 128], sizes = [256, 64], strides = [1, 1]} : vector<256x256xf32> to vector<256x64xf32>
    %mul3A_743 = arith.mulf %slice3A_721, %slice3A_742 : vector<256x64xf32>
    %reduce_sum3A_744 = arith.constant dense<0.000000e+00> : vector<256xf32>
    %reduce_sum3A_745 = vector.multi_reduction <add>, %mul3A_743, %reduce_sum3A_744 [1] : vector<256x64xf32> to vector<256xf32>
    %broadcast_in_dim3A_746 = vector.shape_cast %reduce_sum3A_745 : vector<256xf32> to vector<256x1xf32>
    %slice3A_747 = vector.extract_strided_slice %add3A_570 {offsets = [0, 128], sizes = [256, 64], strides = [1, 1]} : vector<256x256xf32> to vector<256x64xf32>
    %mul3A_748 = arith.mulf %slice3A_721, %slice3A_747 : vector<256x64xf32>
    %reduce_sum3A_749 = arith.constant dense<0.000000e+00> : vector<256xf32>
    %reduce_sum3A_750 = vector.multi_reduction <add>, %mul3A_748, %reduce_sum3A_749 [1] : vector<256x64xf32> to vector<256xf32>
    %broadcast_in_dim3A_751 = vector.shape_cast %reduce_sum3A_750 : vector<256xf32> to vector<256x1xf32>
    %concatenate3A_752 = tpu.concatenate %broadcast_in_dim3A_726, %broadcast_in_dim3A_731, %broadcast_in_dim3A_736, %broadcast_in_dim3A_741, %broadcast_in_dim3A_746, %broadcast_in_dim3A_751 in 1 : vector<256x1xf32>, vector<256x1xf32>, vector<256x1xf32>, vector<256x1xf32>, vector<256x1xf32>, vector<256x1xf32> -> vector<256x6xf32>
    %mul3A_753 = arith.constant 1.250000e-01 : f32
    %mul3A_754 = vector.broadcast %mul3A_753 : f32 to vector<256x6xf32>
    %mul3A_755 = arith.mulf %concatenate3A_752, %mul3A_754 : vector<256x6xf32>
    %reduce_max3A_756 = arith.constant dense<0xFF800000> : vector<256xf32>
    %reduce_max3A_757 = vector.multi_reduction <maximumf>, %mul3A_755, %reduce_max3A_756 [1] : vector<256x6xf32> to vector<256xf32>
    %broadcast_in_dim3A_758 = vector.shape_cast %reduce_max3A_757 : vector<256xf32> to vector<256x1xf32>
    %sub3A_759 = vector.broadcast %broadcast_in_dim3A_758 : vector<256x1xf32> to vector<256x6xf32>
    %sub3A_760 = arith.subf %mul3A_755, %sub3A_759 : vector<256x6xf32>
    %exp3A_761 = math.exp %sub3A_760 : vector<256x6xf32>
    %reduce_sum3A_762 = arith.constant dense<0.000000e+00> : vector<256xf32>
    %reduce_sum3A_763 = vector.multi_reduction <add>, %exp3A_761, %reduce_sum3A_762 [1] : vector<256x6xf32> to vector<256xf32>
    %broadcast_in_dim3A_764 = vector.shape_cast %reduce_sum3A_763 : vector<256xf32> to vector<256x1xf32>
    %div3A_765 = vector.broadcast %broadcast_in_dim3A_764 : vector<256x1xf32> to vector<256x6xf32>
    %div3A_766 = arith.divf %exp3A_761, %div3A_765 : vector<256x6xf32>
    %slice3A_767 = vector.extract_strided_slice %div3A_766 {offsets = [0, 0], sizes = [256, 1], strides = [1, 1]} : vector<256x6xf32> to vector<256x1xf32>
    %slice3A_768 = vector.extract_strided_slice %add3A_32 {offsets = [0, 128], sizes = [256, 64], strides = [1, 1]} : vector<256x256xf32> to vector<256x64xf32>
    %mul3A_769 = vector.broadcast %slice3A_767 : vector<256x1xf32> to vector<256x64xf32>
    %mul3A_770 = arith.mulf %mul3A_769, %slice3A_768 : vector<256x64xf32>
    %slice3A_771 = vector.extract_strided_slice %div3A_766 {offsets = [0, 1], sizes = [256, 1], strides = [1, 1]} : vector<256x6xf32> to vector<256x1xf32>
    %slice3A_772 = vector.extract_strided_slice %add3A_134 {offsets = [0, 128], sizes = [256, 64], strides = [1, 1]} : vector<256x256xf32> to vector<256x64xf32>
    %mul3A_773 = vector.broadcast %slice3A_771 : vector<256x1xf32> to vector<256x64xf32>
    %mul3A_774 = arith.mulf %mul3A_773, %slice3A_772 : vector<256x64xf32>
    %add3A_775 = arith.addf %mul3A_770, %mul3A_774 : vector<256x64xf32>
    %slice3A_776 = vector.extract_strided_slice %div3A_766 {offsets = [0, 2], sizes = [256, 1], strides = [1, 1]} : vector<256x6xf32> to vector<256x1xf32>
    %slice3A_777 = vector.extract_strided_slice %add3A_244 {offsets = [0, 128], sizes = [256, 64], strides = [1, 1]} : vector<256x256xf32> to vector<256x64xf32>
    %mul3A_778 = vector.broadcast %slice3A_776 : vector<256x1xf32> to vector<256x64xf32>
    %mul3A_779 = arith.mulf %mul3A_778, %slice3A_777 : vector<256x64xf32>
    %add3A_780 = arith.addf %add3A_775, %mul3A_779 : vector<256x64xf32>
    %slice3A_781 = vector.extract_strided_slice %div3A_766 {offsets = [0, 3], sizes = [256, 1], strides = [1, 1]} : vector<256x6xf32> to vector<256x1xf32>
    %slice3A_782 = vector.extract_strided_slice %add3A_354 {offsets = [0, 128], sizes = [256, 64], strides = [1, 1]} : vector<256x256xf32> to vector<256x64xf32>
    %mul3A_783 = vector.broadcast %slice3A_781 : vector<256x1xf32> to vector<256x64xf32>
    %mul3A_784 = arith.mulf %mul3A_783, %slice3A_782 : vector<256x64xf32>
    %add3A_785 = arith.addf %add3A_780, %mul3A_784 : vector<256x64xf32>
    %slice3A_786 = vector.extract_strided_slice %div3A_766 {offsets = [0, 4], sizes = [256, 1], strides = [1, 1]} : vector<256x6xf32> to vector<256x1xf32>
    %slice3A_787 = vector.extract_strided_slice %add3A_464 {offsets = [0, 128], sizes = [256, 64], strides = [1, 1]} : vector<256x256xf32> to vector<256x64xf32>
    %mul3A_788 = vector.broadcast %slice3A_786 : vector<256x1xf32> to vector<256x64xf32>
    %mul3A_789 = arith.mulf %mul3A_788, %slice3A_787 : vector<256x64xf32>
    %add3A_790 = arith.addf %add3A_785, %mul3A_789 : vector<256x64xf32>
    %slice3A_791 = vector.extract_strided_slice %div3A_766 {offsets = [0, 5], sizes = [256, 1], strides = [1, 1]} : vector<256x6xf32> to vector<256x1xf32>
    %slice3A_792 = vector.extract_strided_slice %add3A_574 {offsets = [0, 128], sizes = [256, 64], strides = [1, 1]} : vector<256x256xf32> to vector<256x64xf32>
    %mul3A_793 = vector.broadcast %slice3A_791 : vector<256x1xf32> to vector<256x64xf32>
    %mul3A_794 = arith.mulf %mul3A_793, %slice3A_792 : vector<256x64xf32>
    %add3A_795 = arith.addf %add3A_790, %mul3A_794 : vector<256x64xf32>
    %slice3A_796 = vector.extract_strided_slice %add3A_24 {offsets = [0, 192], sizes = [256, 64], strides = [1, 1]} : vector<256x256xf32> to vector<256x64xf32>
    %slice3A_797 = vector.extract_strided_slice %add3A_28 {offsets = [0, 192], sizes = [256, 64], strides = [1, 1]} : vector<256x256xf32> to vector<256x64xf32>
    %mul3A_798 = arith.mulf %slice3A_796, %slice3A_797 : vector<256x64xf32>
    %reduce_sum3A_799 = arith.constant dense<0.000000e+00> : vector<256xf32>
    %reduce_sum3A_800 = vector.multi_reduction <add>, %mul3A_798, %reduce_sum3A_799 [1] : vector<256x64xf32> to vector<256xf32>
    %broadcast_in_dim3A_801 = vector.shape_cast %reduce_sum3A_800 : vector<256xf32> to vector<256x1xf32>
    %slice3A_802 = vector.extract_strided_slice %add3A_130 {offsets = [0, 192], sizes = [256, 64], strides = [1, 1]} : vector<256x256xf32> to vector<256x64xf32>
    %mul3A_803 = arith.mulf %slice3A_796, %slice3A_802 : vector<256x64xf32>
    %reduce_sum3A_804 = arith.constant dense<0.000000e+00> : vector<256xf32>
    %reduce_sum3A_805 = vector.multi_reduction <add>, %mul3A_803, %reduce_sum3A_804 [1] : vector<256x64xf32> to vector<256xf32>
    %broadcast_in_dim3A_806 = vector.shape_cast %reduce_sum3A_805 : vector<256xf32> to vector<256x1xf32>
    %slice3A_807 = vector.extract_strided_slice %add3A_240 {offsets = [0, 192], sizes = [256, 64], strides = [1, 1]} : vector<256x256xf32> to vector<256x64xf32>
    %mul3A_808 = arith.mulf %slice3A_796, %slice3A_807 : vector<256x64xf32>
    %reduce_sum3A_809 = arith.constant dense<0.000000e+00> : vector<256xf32>
    %reduce_sum3A_810 = vector.multi_reduction <add>, %mul3A_808, %reduce_sum3A_809 [1] : vector<256x64xf32> to vector<256xf32>
    %broadcast_in_dim3A_811 = vector.shape_cast %reduce_sum3A_810 : vector<256xf32> to vector<256x1xf32>
    %slice3A_812 = vector.extract_strided_slice %add3A_350 {offsets = [0, 192], sizes = [256, 64], strides = [1, 1]} : vector<256x256xf32> to vector<256x64xf32>
    %mul3A_813 = arith.mulf %slice3A_796, %slice3A_812 : vector<256x64xf32>
    %reduce_sum3A_814 = arith.constant dense<0.000000e+00> : vector<256xf32>
    %reduce_sum3A_815 = vector.multi_reduction <add>, %mul3A_813, %reduce_sum3A_814 [1] : vector<256x64xf32> to vector<256xf32>
    %broadcast_in_dim3A_816 = vector.shape_cast %reduce_sum3A_815 : vector<256xf32> to vector<256x1xf32>
    %slice3A_817 = vector.extract_strided_slice %add3A_460 {offsets = [0, 192], sizes = [256, 64], strides = [1, 1]} : vector<256x256xf32> to vector<256x64xf32>
    %mul3A_818 = arith.mulf %slice3A_796, %slice3A_817 : vector<256x64xf32>
    %reduce_sum3A_819 = arith.constant dense<0.000000e+00> : vector<256xf32>
    %reduce_sum3A_820 = vector.multi_reduction <add>, %mul3A_818, %reduce_sum3A_819 [1] : vector<256x64xf32> to vector<256xf32>
    %broadcast_in_dim3A_821 = vector.shape_cast %reduce_sum3A_820 : vector<256xf32> to vector<256x1xf32>
    %slice3A_822 = vector.extract_strided_slice %add3A_570 {offsets = [0, 192], sizes = [256, 64], strides = [1, 1]} : vector<256x256xf32> to vector<256x64xf32>
    %mul3A_823 = arith.mulf %slice3A_796, %slice3A_822 : vector<256x64xf32>
    %reduce_sum3A_824 = arith.constant dense<0.000000e+00> : vector<256xf32>
    %reduce_sum3A_825 = vector.multi_reduction <add>, %mul3A_823, %reduce_sum3A_824 [1] : vector<256x64xf32> to vector<256xf32>
    %broadcast_in_dim3A_826 = vector.shape_cast %reduce_sum3A_825 : vector<256xf32> to vector<256x1xf32>
    %concatenate3A_827 = tpu.concatenate %broadcast_in_dim3A_801, %broadcast_in_dim3A_806, %broadcast_in_dim3A_811, %broadcast_in_dim3A_816, %broadcast_in_dim3A_821, %broadcast_in_dim3A_826 in 1 : vector<256x1xf32>, vector<256x1xf32>, vector<256x1xf32>, vector<256x1xf32>, vector<256x1xf32>, vector<256x1xf32> -> vector<256x6xf32>
    %mul3A_828 = arith.constant 1.250000e-01 : f32
    %mul3A_829 = vector.broadcast %mul3A_828 : f32 to vector<256x6xf32>
    %mul3A_830 = arith.mulf %concatenate3A_827, %mul3A_829 : vector<256x6xf32>
    %reduce_max3A_831 = arith.constant dense<0xFF800000> : vector<256xf32>
    %reduce_max3A_832 = vector.multi_reduction <maximumf>, %mul3A_830, %reduce_max3A_831 [1] : vector<256x6xf32> to vector<256xf32>
    %broadcast_in_dim3A_833 = vector.shape_cast %reduce_max3A_832 : vector<256xf32> to vector<256x1xf32>
    %sub3A_834 = vector.broadcast %broadcast_in_dim3A_833 : vector<256x1xf32> to vector<256x6xf32>
    %sub3A_835 = arith.subf %mul3A_830, %sub3A_834 : vector<256x6xf32>
    %exp3A_836 = math.exp %sub3A_835 : vector<256x6xf32>
    %reduce_sum3A_837 = arith.constant dense<0.000000e+00> : vector<256xf32>
    %reduce_sum3A_838 = vector.multi_reduction <add>, %exp3A_836, %reduce_sum3A_837 [1] : vector<256x6xf32> to vector<256xf32>
    %broadcast_in_dim3A_839 = vector.shape_cast %reduce_sum3A_838 : vector<256xf32> to vector<256x1xf32>
    %div3A_840 = vector.broadcast %broadcast_in_dim3A_839 : vector<256x1xf32> to vector<256x6xf32>
    %div3A_841 = arith.divf %exp3A_836, %div3A_840 : vector<256x6xf32>
    %slice3A_842 = vector.extract_strided_slice %div3A_841 {offsets = [0, 0], sizes = [256, 1], strides = [1, 1]} : vector<256x6xf32> to vector<256x1xf32>
    %slice3A_843 = vector.extract_strided_slice %add3A_32 {offsets = [0, 192], sizes = [256, 64], strides = [1, 1]} : vector<256x256xf32> to vector<256x64xf32>
    %mul3A_844 = vector.broadcast %slice3A_842 : vector<256x1xf32> to vector<256x64xf32>
    %mul3A_845 = arith.mulf %mul3A_844, %slice3A_843 : vector<256x64xf32>
    %slice3A_846 = vector.extract_strided_slice %div3A_841 {offsets = [0, 1], sizes = [256, 1], strides = [1, 1]} : vector<256x6xf32> to vector<256x1xf32>
    %slice3A_847 = vector.extract_strided_slice %add3A_134 {offsets = [0, 192], sizes = [256, 64], strides = [1, 1]} : vector<256x256xf32> to vector<256x64xf32>
    %mul3A_848 = vector.broadcast %slice3A_846 : vector<256x1xf32> to vector<256x64xf32>
    %mul3A_849 = arith.mulf %mul3A_848, %slice3A_847 : vector<256x64xf32>
    %add3A_850 = arith.addf %mul3A_845, %mul3A_849 : vector<256x64xf32>
    %slice3A_851 = vector.extract_strided_slice %div3A_841 {offsets = [0, 2], sizes = [256, 1], strides = [1, 1]} : vector<256x6xf32> to vector<256x1xf32>
    %slice3A_852 = vector.extract_strided_slice %add3A_244 {offsets = [0, 192], sizes = [256, 64], strides = [1, 1]} : vector<256x256xf32> to vector<256x64xf32>
    %mul3A_853 = vector.broadcast %slice3A_851 : vector<256x1xf32> to vector<256x64xf32>
    %mul3A_854 = arith.mulf %mul3A_853, %slice3A_852 : vector<256x64xf32>
    %add3A_855 = arith.addf %add3A_850, %mul3A_854 : vector<256x64xf32>
    %slice3A_856 = vector.extract_strided_slice %div3A_841 {offsets = [0, 3], sizes = [256, 1], strides = [1, 1]} : vector<256x6xf32> to vector<256x1xf32>
    %slice3A_857 = vector.extract_strided_slice %add3A_354 {offsets = [0, 192], sizes = [256, 64], strides = [1, 1]} : vector<256x256xf32> to vector<256x64xf32>
    %mul3A_858 = vector.broadcast %slice3A_856 : vector<256x1xf32> to vector<256x64xf32>
    %mul3A_859 = arith.mulf %mul3A_858, %slice3A_857 : vector<256x64xf32>
    %add3A_860 = arith.addf %add3A_855, %mul3A_859 : vector<256x64xf32>
    %slice3A_861 = vector.extract_strided_slice %div3A_841 {offsets = [0, 4], sizes = [256, 1], strides = [1, 1]} : vector<256x6xf32> to vector<256x1xf32>
    %slice3A_862 = vector.extract_strided_slice %add3A_464 {offsets = [0, 192], sizes = [256, 64], strides = [1, 1]} : vector<256x256xf32> to vector<256x64xf32>
    %mul3A_863 = vector.broadcast %slice3A_861 : vector<256x1xf32> to vector<256x64xf32>
    %mul3A_864 = arith.mulf %mul3A_863, %slice3A_862 : vector<256x64xf32>
    %add3A_865 = arith.addf %add3A_860, %mul3A_864 : vector<256x64xf32>
    %slice3A_866 = vector.extract_strided_slice %div3A_841 {offsets = [0, 5], sizes = [256, 1], strides = [1, 1]} : vector<256x6xf32> to vector<256x1xf32>
    %slice3A_867 = vector.extract_strided_slice %add3A_574 {offsets = [0, 192], sizes = [256, 64], strides = [1, 1]} : vector<256x256xf32> to vector<256x64xf32>
    %mul3A_868 = vector.broadcast %slice3A_866 : vector<256x1xf32> to vector<256x64xf32>
    %mul3A_869 = arith.mulf %mul3A_868, %slice3A_867 : vector<256x64xf32>
    %add3A_870 = arith.addf %add3A_865, %mul3A_869 : vector<256x64xf32>
    %concatenate3A_871 = tpu.concatenate %add3A_645, %add3A_720, %add3A_795, %add3A_870 in 1 : vector<256x64xf32>, vector<256x64xf32>, vector<256x64xf32>, vector<256x64xf32> -> vector<256x256xf32>
    %get3A_872 = arith.constant 0 : index
    %get3A_873 = arith.constant 0 : index
    %get3A_874 = vector.load %arg19[%get3A_872, %get3A_873] : memref<256x256xf32, #tpu.memory_space<vmem>>, vector<256x256xf32>
    %dot_general3A_875 = arith.constant dense<0.000000e+00> : vector<256x256xf32>
    %dot_general3A_876 = tpu.matmul %concatenate3A_871, %get3A_874, %dot_general3A_875 {dimension_numbers = #tpu.dot_dimension_numbers<[1], [0], [0], [1], [0, 0, 1, 1], [], []>, transpose_lhs_hint = false} : vector<256x256xf32>, vector<256x256xf32>, vector<256x256xf32> -> vector<256x256xf32>
    %get3A_877 = arith.constant 0 : index
    %get3A_878 = arith.constant 0 : index
    %get3A_879 = vector.load %arg20[%get3A_877, %get3A_878] : memref<1x256xf32, #tpu.memory_space<vmem>>, vector<1x256xf32>
    %add3A_880 = vector.broadcast %get3A_879 : vector<1x256xf32> to vector<256x256xf32>
    %add3A_881 = arith.addf %dot_general3A_876, %add3A_880 : vector<256x256xf32>
    %add3A_882 = arith.addf %add3A_881, %get3A_4 : vector<256x256xf32>
    %get3A_883 = arith.constant 0 : index
    %get3A_884 = arith.constant 0 : index
    %get3A_885 = vector.load %arg21[%get3A_883, %get3A_884] : memref<1x256xf32, #tpu.memory_space<vmem>>, vector<1x256xf32>
    %get3A_886 = arith.constant 0 : index
    %get3A_887 = arith.constant 0 : index
    %get3A_888 = vector.load %arg22[%get3A_886, %get3A_887] : memref<1x256xf32, #tpu.memory_space<vmem>>, vector<1x256xf32>
    %reduce_sum3A_889 = arith.constant dense<0.000000e+00> : vector<256xf32>
    %reduce_sum3A_890 = vector.multi_reduction <add>, %add3A_882, %reduce_sum3A_889 [1] : vector<256x256xf32> to vector<256xf32>
    %broadcast_in_dim3A_891 = vector.shape_cast %reduce_sum3A_890 : vector<256xf32> to vector<256x1xf32>
    %div3A_892 = arith.constant 2.560000e+02 : f32
    %div3A_893 = vector.broadcast %div3A_892 : f32 to vector<256x1xf32>
    %div3A_894 = arith.divf %broadcast_in_dim3A_891, %div3A_893 : vector<256x1xf32>
    %sub3A_895 = vector.broadcast %div3A_894 : vector<256x1xf32> to vector<256x256xf32>
    %sub3A_896 = arith.subf %add3A_882, %sub3A_895 : vector<256x256xf32>
    %integer_pow3A_897 = arith.mulf %sub3A_896, %sub3A_896 : vector<256x256xf32>
    %reduce_sum3A_898 = arith.constant dense<0.000000e+00> : vector<256xf32>
    %reduce_sum3A_899 = vector.multi_reduction <add>, %integer_pow3A_897, %reduce_sum3A_898 [1] : vector<256x256xf32> to vector<256xf32>
    %broadcast_in_dim3A_900 = vector.shape_cast %reduce_sum3A_899 : vector<256xf32> to vector<256x1xf32>
    %div3A_901 = arith.constant 2.560000e+02 : f32
    %div3A_902 = vector.broadcast %div3A_901 : f32 to vector<256x1xf32>
    %div3A_903 = arith.divf %broadcast_in_dim3A_900, %div3A_902 : vector<256x1xf32>
    %sub3A_904 = vector.broadcast %div3A_894 : vector<256x1xf32> to vector<256x256xf32>
    %sub3A_905 = arith.subf %add3A_882, %sub3A_904 : vector<256x256xf32>
    %add3A_906 = arith.constant 9.99999974E-6 : f32
    %add3A_907 = vector.broadcast %add3A_906 : f32 to vector<256x1xf32>
    %add3A_908 = arith.addf %div3A_903, %add3A_907 : vector<256x1xf32>
    %sqrt3A_909 = math.sqrt %add3A_908 : vector<256x1xf32>
    %div3A_910 = vector.broadcast %sqrt3A_909 : vector<256x1xf32> to vector<256x256xf32>
    %div3A_911 = arith.divf %sub3A_905, %div3A_910 : vector<256x256xf32>
    %mul3A_912 = vector.broadcast %get3A_885 : vector<1x256xf32> to vector<256x256xf32>
    %mul3A_913 = arith.mulf %div3A_911, %mul3A_912 : vector<256x256xf32>
    %add3A_914 = vector.broadcast %get3A_888 : vector<1x256xf32> to vector<256x256xf32>
    %add3A_915 = arith.addf %mul3A_913, %add3A_914 : vector<256x256xf32>
    %get3A_916 = arith.constant 0 : index
    %get3A_917 = arith.constant 0 : index
    %get3A_918 = vector.load %arg23[%get3A_916, %get3A_917] : memref<256x1024xf32, #tpu.memory_space<vmem>>, vector<256x1024xf32>
    %dot_general3A_919 = arith.constant dense<0.000000e+00> : vector<256x1024xf32>
    %dot_general3A_920 = tpu.matmul %add3A_915, %get3A_918, %dot_general3A_919 {dimension_numbers = #tpu.dot_dimension_numbers<[1], [0], [0], [1], [0, 0, 1, 1], [], []>, transpose_lhs_hint = false} : vector<256x256xf32>, vector<256x1024xf32>, vector<256x1024xf32> -> vector<256x1024xf32>
    %get3A_921 = arith.constant 0 : index
    %get3A_922 = arith.constant 0 : index
    %get3A_923 = vector.load %arg24[%get3A_921, %get3A_922] : memref<1x1024xf32, #tpu.memory_space<vmem>>, vector<1x1024xf32>
    %add3A_924 = vector.broadcast %get3A_923 : vector<1x1024xf32> to vector<256x1024xf32>
    %add3A_925 = arith.addf %dot_general3A_920, %add3A_924 : vector<256x1024xf32>
    %max3A_926 = arith.constant 0.000000e+00 : f32
    %max3A_927 = vector.broadcast %max3A_926 : f32 to vector<256x1024xf32>
    %max3A_928 = arith.maximumf %add3A_925, %max3A_927 : vector<256x1024xf32>
    %get3A_929 = arith.constant 0 : index
    %get3A_930 = arith.constant 0 : index
    %get3A_931 = vector.load %arg25[%get3A_929, %get3A_930] : memref<1024x256xf32, #tpu.memory_space<vmem>>, vector<1024x256xf32>
    %dot_general3A_932 = arith.constant dense<0.000000e+00> : vector<256x256xf32>
    %dot_general3A_933 = tpu.matmul %max3A_928, %get3A_931, %dot_general3A_932 {dimension_numbers = #tpu.dot_dimension_numbers<[1], [0], [0], [1], [0, 0, 1, 1], [], []>, transpose_lhs_hint = false} : vector<256x1024xf32>, vector<1024x256xf32>, vector<256x256xf32> -> vector<256x256xf32>
    %get3A_934 = arith.constant 0 : index
    %get3A_935 = arith.constant 0 : index
    %get3A_936 = vector.load %arg26[%get3A_934, %get3A_935] : memref<1x256xf32, #tpu.memory_space<vmem>>, vector<1x256xf32>
    %add3A_937 = vector.broadcast %get3A_936 : vector<1x256xf32> to vector<256x256xf32>
    %add3A_938 = arith.addf %dot_general3A_933, %add3A_937 : vector<256x256xf32>
    %add3A_939 = arith.addf %add3A_938, %add3A_915 : vector<256x256xf32>
    %get3A_940 = arith.constant 0 : index
    %get3A_941 = arith.constant 0 : index
    %get3A_942 = vector.load %arg27[%get3A_940, %get3A_941] : memref<1x256xf32, #tpu.memory_space<vmem>>, vector<1x256xf32>
    %get3A_943 = arith.constant 0 : index
    %get3A_944 = arith.constant 0 : index
    %get3A_945 = vector.load %arg28[%get3A_943, %get3A_944] : memref<1x256xf32, #tpu.memory_space<vmem>>, vector<1x256xf32>
    %reduce_sum3A_946 = arith.constant dense<0.000000e+00> : vector<256xf32>
    %reduce_sum3A_947 = vector.multi_reduction <add>, %add3A_939, %reduce_sum3A_946 [1] : vector<256x256xf32> to vector<256xf32>
    %broadcast_in_dim3A_948 = vector.shape_cast %reduce_sum3A_947 : vector<256xf32> to vector<256x1xf32>
    %div3A_949 = arith.constant 2.560000e+02 : f32
    %div3A_950 = vector.broadcast %div3A_949 : f32 to vector<256x1xf32>
    %div3A_951 = arith.divf %broadcast_in_dim3A_948, %div3A_950 : vector<256x1xf32>
    %sub3A_952 = vector.broadcast %div3A_951 : vector<256x1xf32> to vector<256x256xf32>
    %sub3A_953 = arith.subf %add3A_939, %sub3A_952 : vector<256x256xf32>
    %integer_pow3A_954 = arith.mulf %sub3A_953, %sub3A_953 : vector<256x256xf32>
    %reduce_sum3A_955 = arith.constant dense<0.000000e+00> : vector<256xf32>
    %reduce_sum3A_956 = vector.multi_reduction <add>, %integer_pow3A_954, %reduce_sum3A_955 [1] : vector<256x256xf32> to vector<256xf32>
    %broadcast_in_dim3A_957 = vector.shape_cast %reduce_sum3A_956 : vector<256xf32> to vector<256x1xf32>
    %div3A_958 = arith.constant 2.560000e+02 : f32
    %div3A_959 = vector.broadcast %div3A_958 : f32 to vector<256x1xf32>
    %div3A_960 = arith.divf %broadcast_in_dim3A_957, %div3A_959 : vector<256x1xf32>
    %sub3A_961 = vector.broadcast %div3A_951 : vector<256x1xf32> to vector<256x256xf32>
    %sub3A_962 = arith.subf %add3A_939, %sub3A_961 : vector<256x256xf32>
    %add3A_963 = arith.constant 9.99999974E-6 : f32
    %add3A_964 = vector.broadcast %add3A_963 : f32 to vector<256x1xf32>
    %add3A_965 = arith.addf %div3A_960, %add3A_964 : vector<256x1xf32>
    %sqrt3A_966 = math.sqrt %add3A_965 : vector<256x1xf32>
    %div3A_967 = vector.broadcast %sqrt3A_966 : vector<256x1xf32> to vector<256x256xf32>
    %div3A_968 = arith.divf %sub3A_962, %div3A_967 : vector<256x256xf32>
    %mul3A_969 = vector.broadcast %get3A_942 : vector<1x256xf32> to vector<256x256xf32>
    %mul3A_970 = arith.mulf %div3A_968, %mul3A_969 : vector<256x256xf32>
    %add3A_971 = vector.broadcast %get3A_945 : vector<1x256xf32> to vector<256x256xf32>
    %add3A_972 = arith.addf %mul3A_970, %add3A_971 : vector<256x256xf32>
    %add3A_973 = arith.addf %add3A_972, %get3A_4 : vector<256x256xf32>
    %swap3A = arith.constant 0 : index
    %swap3A_974 = arith.constant 0 : index
    %swap3A_975 = vector.load %arg29[%swap3A, %swap3A_974] : memref<256x256xf32, #tpu.memory_space<vmem>>, vector<256x256xf32>
    tpu.vector_store %arg29[%swap3A, %swap3A_974], %add3A_973 {strides = array<i32>} : memref<256x256xf32, #tpu.memory_space<vmem>>, vector<256x256xf32>,
    return
  }
  func.func @transform_0(%arg0: i32) -> (i32, i32) {
    %c0_i32 = arith.constant 0 : i32
    %c0_i32_0 = arith.constant 0 : i32
    return %arg0, %c0_i32 : i32, i32
  }
  func.func @transform_1(%arg0: i32) -> (i32, i32) {
    %c0_i32 = arith.constant 0 : i32
    %c0_i32_0 = arith.constant 0 : i32
    return %arg0, %c0_i32 : i32, i32
  }
  func.func @transform_2(%arg0: i32) -> (i32, i32, i32) {
    %c0_i32 = arith.constant 0 : i32
    %c0_i32_0 = arith.constant 0 : i32
    %c0_i32_1 = arith.constant 0 : i32
    return %c0_i32, %arg0, %c0_i32_0 : i32, i32, i32
  }
  func.func @transform_3(%arg0: i32) -> (i32, i32, i32) {
    %c0_i32 = arith.constant 0 : i32
    %c0_i32_0 = arith.constant 0 : i32
    %c0_i32_1 = arith.constant 0 : i32
    return %c0_i32, %arg0, %c0_i32_0 : i32, i32, i32
  }
  func.func @transform_4(%arg0: i32) -> (i32, i32) {
    %c0_i32 = arith.constant 0 : i32
    %c0_i32_0 = arith.constant 0 : i32
    %c0_i32_1 = arith.constant 0 : i32
    return %c0_i32, %c0_i32_0 : i32, i32
  }
  func.func @transform_5(%arg0: i32) -> (i32, i32) {
    %c0_i32 = arith.constant 0 : i32
    %c0_i32_0 = arith.constant 0 : i32
    %c0_i32_1 = arith.constant 0 : i32
    return %c0_i32, %c0_i32_0 : i32, i32
  }
  func.func @transform_6(%arg0: i32) -> (i32, i32) {
    %c0_i32 = arith.constant 0 : i32
    %c0_i32_0 = arith.constant 0 : i32
    %c0_i32_1 = arith.constant 0 : i32
    return %c0_i32, %c0_i32_0 : i32, i32
  }
  func.func @transform_7(%arg0: i32) -> (i32, i32) {
    %c0_i32 = arith.constant 0 : i32
    %c0_i32_0 = arith.constant 0 : i32
    %c0_i32_1 = arith.constant 0 : i32
    return %c0_i32, %c0_i32_0 : i32, i32
  }
  func.func @transform_8(%arg0: i32) -> (i32, i32) {
    %c0_i32 = arith.constant 0 : i32
    %c0_i32_0 = arith.constant 0 : i32
    %c0_i32_1 = arith.constant 0 : i32
    return %c0_i32, %c0_i32_0 : i32, i32
  }
  func.func @transform_9(%arg0: i32) -> (i32, i32) {
    %c0_i32 = arith.constant 0 : i32
    %c0_i32_0 = arith.constant 0 : i32
    %c0_i32_1 = arith.constant 0 : i32
    return %c0_i32, %c0_i32_0 : i32, i32
  }
  func.func @transform_10(%arg0: i32) -> (i32, i32) {
    %c0_i32 = arith.constant 0 : i32
    %c0_i32_0 = arith.constant 0 : i32
    %c0_i32_1 = arith.constant 0 : i32
    return %c0_i32, %c0_i32_0 : i32, i32
  }
  func.func @transform_11(%arg0: i32) -> (i32, i32) {
    %c0_i32 = arith.constant 0 : i32
    %c0_i32_0 = arith.constant 0 : i32
    %c0_i32_1 = arith.constant 0 : i32
    return %c0_i32, %c0_i32_0 : i32, i32
  }
  func.func @transform_12(%arg0: i32) -> (i32, i32) {
    %c0_i32 = arith.constant 0 : i32
    %c0_i32_0 = arith.constant 0 : i32
    %c0_i32_1 = arith.constant 0 : i32
    return %c0_i32, %c0_i32_0 : i32, i32
  }
  func.func @transform_13(%arg0: i32) -> (i32, i32) {
    %c0_i32 = arith.constant 0 : i32
    %c0_i32_0 = arith.constant 0 : i32
    %c0_i32_1 = arith.constant 0 : i32
    return %c0_i32, %c0_i32_0 : i32, i32
  }
  func.func @transform_14(%arg0: i32) -> (i32, i32) {
    %c0_i32 = arith.constant 0 : i32
    %c0_i32_0 = arith.constant 0 : i32
    %c0_i32_1 = arith.constant 0 : i32
    return %c0_i32, %c0_i32_0 : i32, i32
  }
  func.func @transform_15(%arg0: i32) -> (i32, i32) {
    %c0_i32 = arith.constant 0 : i32
    %c0_i32_0 = arith.constant 0 : i32
    %c0_i32_1 = arith.constant 0 : i32
    return %c0_i32, %c0_i32_0 : i32, i32
  }
  func.func @transform_16(%arg0: i32) -> (i32, i32) {
    %c0_i32 = arith.constant 0 : i32
    %c0_i32_0 = arith.constant 0 : i32
    %c0_i32_1 = arith.constant 0 : i32
    return %c0_i32, %c0_i32_0 : i32, i32
  }
  func.func @transform_17(%arg0: i32) -> (i32, i32) {
    %c0_i32 = arith.constant 0 : i32
    %c0_i32_0 = arith.constant 0 : i32
    %c0_i32_1 = arith.constant 0 : i32
    return %c0_i32, %c0_i32_0 : i32, i32
  }
  func.func @transform_18(%arg0: i32) -> (i32, i32) {
    %c0_i32 = arith.constant 0 : i32
    %c0_i32_0 = arith.constant 0 : i32
    %c0_i32_1 = arith.constant 0 : i32
    return %c0_i32, %c0_i32_0 : i32, i32
  }
  func.func @transform_19(%arg0: i32) -> (i32, i32) {
    %c0_i32 = arith.constant 0 : i32
    %c0_i32_0 = arith.constant 0 : i32
    %c0_i32_1 = arith.constant 0 : i32
    return %c0_i32, %c0_i32_0 : i32, i32
  }
  func.func @transform_20(%arg0: i32) -> (i32, i32) {
    %c0_i32 = arith.constant 0 : i32
    %c0_i32_0 = arith.constant 0 : i32
    %c0_i32_1 = arith.constant 0 : i32
    return %c0_i32, %c0_i32_0 : i32, i32
  }
  func.func @transform_21(%arg0: i32) -> (i32, i32) {
    %c0_i32 = arith.constant 0 : i32
    %c0_i32_0 = arith.constant 0 : i32
    %c0_i32_1 = arith.constant 0 : i32
    return %c0_i32, %c0_i32_0 : i32, i32
  }
  func.func @transform_22(%arg0: i32) -> (i32, i32) {
    %c0_i32 = arith.constant 0 : i32
    %c0_i32_0 = arith.constant 0 : i32
    %c0_i32_1 = arith.constant 0 : i32
    return %c0_i32, %c0_i32_0 : i32, i32
  }
  func.func @transform_23(%arg0: i32) -> (i32, i32) {
    %c0_i32 = arith.constant 0 : i32
    %c0_i32_0 = arith.constant 0 : i32
    %c0_i32_1 = arith.constant 0 : i32
    return %c0_i32, %c0_i32_0 : i32, i32
  }
  func.func @transform_24(%arg0: i32) -> (i32, i32) {
    %c0_i32 = arith.constant 0 : i32
    %c0_i32_0 = arith.constant 0 : i32
    %c0_i32_1 = arith.constant 0 : i32
    return %c0_i32, %c0_i32_0 : i32, i32
  }
  func.func @transform_25(%arg0: i32) -> (i32, i32) {
    %c0_i32 = arith.constant 0 : i32
    %c0_i32_0 = arith.constant 0 : i32
    %c0_i32_1 = arith.constant 0 : i32
    return %c0_i32, %c0_i32_0 : i32, i32
  }
  func.func @transform_26(%arg0: i32) -> (i32, i32) {
    %c0_i32 = arith.constant 0 : i32
    %c0_i32_0 = arith.constant 0 : i32
    %c0_i32_1 = arith.constant 0 : i32
    return %c0_i32, %c0_i32_0 : i32, i32
  }
  func.func @transform_27(%arg0: i32) -> (i32, i32) {
    %c0_i32 = arith.constant 0 : i32
    %c0_i32_0 = arith.constant 0 : i32
    %c0_i32_1 = arith.constant 0 : i32
    return %c0_i32, %c0_i32_0 : i32, i32
  }
  func.func @transform_28(%arg0: i32) -> (i32, i32) {
    %c0_i32 = arith.constant 0 : i32
    %c0_i32_0 = arith.constant 0 : i32
    return %arg0, %c0_i32 : i32, i32
  }
}

</mosaic_0001>

<sc_bundles>
// kernel: kernel.6.cloned.1.call-start
scs
__scs_entry_jumppad:
0x0: {  	(pc) =	sbr.rel $0x88, $3  }
0x1: {  	(tag) =	ssettag $0x0;
	lr =	simm.s32 $0x1  }
0x2: {  	[smem:$0x3F85] =	sst lr;
	_ =	strace $0xD0000000  }
0x3: {  	_ = 	snop  }
0x4: {  	_ = 	snop  }
0x5: {  	_ = 	snop  }
0x6: {  	_ = 	snop  }
0x7: {  	_ = 	snop  }
__scs_overlays_trampoline_lowered:
0x8: {  	[smem:$0x3F94] =	sst s0  }
0x9: {  	[smem:$0x3F95] =	sst s1  }
0xa: {  	[smem:$0x3F96] =	sst s2  }
0xb: {  	[smem:$0x3F97] =	sst s3  }
0xc: {  	[smem:$0x3F98] =	sst s4  }
0xd: {  	[smem:$0x3F99] =	sst s5  }
0xe: {  	[smem:$0x3F9A] =	sst s6  }
0xf: {  	[smem:$0x3F9B] =	sst s7  }
0x10: {  	[smem:$0x3F9C] =	sst s8  }
0x11: {  	[smem:$0x3F9D] =	sst s9;
	s0 =	simm.s32 @!p0 $0x0  }
0x12: {  	s1 =	sld [smem:$0x3F83];
	s0 =	simm.s32 @p0 $0x1  }
0x13: {  	[smem:$0x3F9E] =	sst s0;
	s0 =	simm.s32 @!p1 $0x0  }
0x14: {  	s2 =	sld [smem:$0x3F82];
	s0 =	simm.s32 @p1 $0x1  }
0x15: {  	[smem:$0x3F9F] =	sst s0;
	s0 =	simm.s32 @!p2 $0x0  }
0x16: {  	s3 =	sld [smem:$0x3FDB];
	s0 =	simm.s32 @p2 $0x1  }
0x17: {  	s4 =	simm.s32 $0x1BF5;
	[smem:$0x3FA1] =	sst s0  }
0x18: {  	s0 =	sld [smem:$0x3F84];
	_ =	swait.ge [sflag:s4], $0x0  }
0x19: {  	s7 =	sld [smem:$0x3F85]  }
0x1a: {  	s8 =	sadd.s32 $0xFFFFE003, lr  }
0x1b: {  	s9 =	sadd.s32 $0xFFFFFEF7, lr;
	s5 =	simm.s32 $0xFFFFFFFF;
	p2 =	slt.u32 s8, $0xFFFFF086  }
0x1c: {  	p1 =	slt.u32 s9, $0xF7A;
	s5 =	simm.s32 @!p2 $0x0  }
0x1d: {  	s5 =	simm.s32 @p1 $0x1;
	p0 =	seq.s32 s7, s2  }
0x1e: {  	s7 =	smul.u32 @!p0 $0xF7A, s2;
	p2 =	seq.s32 @!p0 s5, $0x0  }
0x1f: {  	s9 =	smul.u32 $0xF7A, s1;
	s8 =	simm.s32 @!p0 $0x1BF5;
	p2 =	por !p2, p0  }
0x20: {  	[sflag:s8] =	ssyncset.s32 @!p0 $0xFFFFF086;
	s6 =	sadd.s32 @!p0 s3, s7;
	s7 =	simm.s32 @!p0 $0x108  }
0x21: {  	s3 =	sadd.s32 s3, s9;
	s6 =	sadd.s32 @!p0 $0x88, s6;
	s7 =	simm.s32 @p2 $0x1082  }
0x22: {  	[simem:s7], [sflag:s8] =	dma.local @!p0 [hbm:s6], $0xF7A  }
0x23: {  	s9 =	sor.u32 $0xD0000000, s2;
	s6 =	simm.s32 $0x108;
	_ =	swait.ge @!p0 [sflag:s8], $0x0  }
0x24: {  	s3 =	sadd.s32 $0x88, s3;
	s6 =	simm.s32 @!p1 $0x1082;
	[sflag:s4] =	ssyncset.s32 $0xFFFFF086  }
0x25: {  	[simem:s6], [sflag:s4] =	dma.local [hbm:s3], $0xF7A  }
0x26: {  	[smem:$0x3F85] =	sst s1;
	(tag) =	ssettag s2;
	_ =	strace s9  }
0x27: {  	s1 =	sld [smem:$0x3F95]  }
0x28: {  	s2 =	sld [smem:$0x3F96]  }
0x29: {  	s4 =	sld [smem:$0x3F98]  }
0x2a: {  	p0 =	seq.s32 s5, $0x0;
	s5 =	sld [smem:$0x3F99]  }
0x2b: {  	s6 =	sld [smem:$0x3F9A]  }
0x2c: {  	s7 =	sld [smem:$0x3F9B]  }
0x2d: {  	s3 =	simm.s32 $0x108;
	s8 =	sld [smem:$0x3F9C]  }
0x2e: {  	s3 =	simm.s32 @!p0 $0x1082;
	s9 =	sld [smem:$0x3F9D]  }
0x2f: {  	lr =	sadd.s32 s0, s3;
	s0 =	sld [smem:$0x3F94]  }
0x30: {  	s3 =	sld [smem:$0x3F97]  }
0x31: {  	[smem:$0x3FA0] =	sst s10  }
0x32: {  	s10 =	sld [smem:$0x3F9E];
	_ =	sdelay $0x3  }
0x33: {  	p0 =	seq.s32 s10, $0x1;
	s10 =	sld [smem:$0x3FA0];
	_ =	sdelay $0x3  }
0x34: {  	[smem:$0x3FA0] =	sst s10  }
0x35: {  	s10 =	sld [smem:$0x3F9F];
	_ =	sdelay $0x3  }
0x36: {  	p1 =	seq.s32 s10, $0x1;
	s10 =	sld [smem:$0x3FA0];
	_ =	sdelay $0x3  }
0x37: {  	[smem:$0x3FA0] =	sst s10  }
0x38: {  	s10 =	sld [smem:$0x3FA1]  }
0x39: {  	_ = 	snop;
	(pc) =	sbr.ind lr, $3  }
0x3a: {  	_ = 	snop  }
0x3b: {  	_ = 	snop  }
0x3c: {  	p2 =	seq.s32 s10, $0x1;
	s10 =	sld [smem:$0x3FA0]  }
0x3d: {  	_ =	shalt  }
0x3e: {  	_ =	shalt  }
0x3f: {  	_ =	shalt  }
0x40: {  	_ =	shalt  }
0x41: {  	_ =	shalt  }
0x42: {  	_ =	shalt  }
0x43: {  	_ =	shalt  }
0x44: {  	_ =	shalt  }
0x45: {  	_ =	shalt  }
0x46: {  	_ =	shalt  }
0x47: {  	_ =	shalt  }
0x48: {  	_ =	shalt  }
0x49: {  	_ =	shalt  }
0x4a: {  	_ =	shalt  }
0x4b: {  	_ =	shalt  }
0x4c: {  	_ =	shalt  }
0x4d: {  	_ =	shalt  }
0x4e: {  	_ =	shalt  }
0x4f: {  	_ =	shalt  }
0x50: {  	_ =	shalt  }
0x51: {  	_ =	shalt  }
0x52: {  	_ =	shalt  }
0x53: {  	_ =	shalt  }
0x54: {  	_ =	shalt  }
0x55: {  	_ =	shalt  }
0x56: {  	_ =	shalt  }
0x57: {  	_ =	shalt  }
0x58: {  	_ =	shalt  }
0x59: {  	_ =	shalt  }
0x5a: {  	_ =	shalt  }
0x5b: {  	_ =	shalt  }
0x5c: {  	_ =	shalt  }
0x5d: {  	_ =	shalt  }
0x5e: {  	_ =	shalt  }
0x5f: {  	_ =	shalt  }
0x60: {  	_ =	shalt  }
0x61: {  	_ =	shalt  }
0x62: {  	_ =	shalt  }
0x63: {  	_ =	shalt  }
0x64: {  	_ =	shalt  }
0x65: {  	_ =	shalt  }
0x66: {  	_ =	shalt  }
0x67: {  	_ =	shalt  }
0x68: {  	_ =	shalt  }
0x69: {  	_ =	shalt  }
0x6a: {  	_ =	shalt  }
0x6b: {  	_ =	shalt  }
0x6c: {  	_ =	shalt  }
0x6d: {  	_ =	shalt  }
0x6e: {  	_ =	shalt  }
0x6f: {  	_ =	shalt  }
0x70: {  	_ =	shalt  }
0x71: {  	_ =	shalt  }
0x72: {  	_ =	shalt  }
0x73: {  	_ =	shalt  }
0x74: {  	_ =	shalt  }
0x75: {  	_ =	shalt  }
0x76: {  	_ =	shalt  }
0x77: {  	_ =	shalt  }
0x78: {  	_ =	shalt  }
0x79: {  	_ =	shalt  }
0x7a: {  	_ =	shalt  }
0x7b: {  	_ =	shalt  }
0x7c: {  	_ =	shalt  }
0x7d: {  	_ =	shalt  }
0x7e: {  	_ =	shalt  }
0x7f: {  	_ =	shalt  }
0x80: {  	_ =	shalt  }
0x81: {  	_ =	shalt  }
0x82: {  	_ =	shalt  }
0x83: {  	_ =	shalt  }
0x84: {  	_ =	shalt  }
0x85: {  	_ =	shalt  }
0x86: {  	_ =	shalt  }
0x87: {  	_ =	shalt  }
.Lfunc_end0:
.L_simem_size_0:
called_computation_lowered:
.L_overlay_start_0:
0x88: {  	s2 =	sld [smem:$0x3FD9]  }
0x89: {  	s3 =	sld [smem:$0x3FFE];
	_ =	sdelay $0x1  }
0x8a: {  	s1 =	srdreg.scid  }
0x8b: {  	s0 =	sand.u32 $0x1, s1  }
0x8c: {  	s17 =	sshll.u32 s0, $0xA;
	s2 =	sadd.s32 s3, s2  }
0x8d: {  	s2 =	sadd.s32 s2, s17  }
0x8e: {  	[smem:$0x3FAC] =	sst s2  }
0x8f: {  	_ = 	snop  }
0x90: {  	s2 =	sld [smem:$0x3FC8]  }
0x91: {  	s18 =	sld [smem:$0x3FC7];
	(tm) =	ssettm $0x1  }
0x92: {  	s4 =	sld [smem:$0x3FFB];
	_ =	sdelay $0x3  }
0x93: {  	_ =	strace s4  }
0x94: {  	s4 =	sld [smem:$0x3FFC];
	_ =	sdelay $0x3  }
0x95: {  	_ =	strace s4  }
0x96: {  	s4 =	sld [smem:$0x3FFD];
	_ =	sdelay $0x3  }
0x97: {  	_ =	strace s4  }
0x98: {  	_ =	strace $0x8FFFFFFF  }
0x99: {  	s19 =	sld [smem:$0x3FDB];
	_ =	sdelay $0x1  }
0x9a: {  	s5 =	simm.s32 $_scs_section_size  }
0x9b: {  	s6 =	simm.s32 $_size__tile_overlayer_lowered;
	s7 =	simm.s32 $_tile_overlayer_lowered  }
0x9c: {  	s22 =	simm.s32 $0x1BFF;
	s21 =	sshll.u32 s7, $0x1;
	s4 =	sadd.s32 s5, s19  }
0x9d: {  	s8 =	simm.s32 $0x0;
	s20 =	sshll.u32 s6, $0x1;
	s6 =	sadd.s32 s21, s4  }
0x9e: {  	[timem:s8], [sflag:s22] =	dma.local [hbm:s6], s20  }
0x9f: {  	_ =	swait.ge [sflag:s22], s20  }
0xa0: {  	s5 =	ssub.s32 $0x0, s20;
	[sflag:s22] =	ssyncset.done $0x0  }
0xa1: {  	[sflag:s22] =	ssyncadd.s32 s5;
	_ =	sdelay $0x1  }
0xa2: {  	s23 =	simm.s32 $0x1B8B  }
0xa3: {  	_ =	swait.ge [sflag:s23], $0x1  }
0xa4: {  	[sflag:s23] =	ssyncset.done $0x0  }
0xa5: {  	s25 =	simm.s32 $0x1B8E;
	s24 =	sld [smem:$0x3FFE];
	[sflag:s23] =	ssyncadd.s32 $0xFFFFFFFF  }
0xa6: {  	s26 =	simm.s32 $execute0_lowered;
	[smem:$0x3FD2] =	sst s25  }
0xa7: {  	s6 =	sshll.u32 s26, $0x1;
	_ =	strace $0x80000046;
	[dreg:$0x1] =	wrdreg $0xFFFFFFFF  }
0xa8: {  	s28 =	simm.s32 $_size_execute0_lowered;
	s4 =	sadd.s32 s4, s6;
	[dreg:$0x0] =	wrdreg $0x0  }
0xa9: {  	s6 =	sshll.u32 s28, $0x1;
	[dreg:$0x2] =	wrdreg s4  }
0xaa: {  	[dreg:$0x3] =	wrdreg s6  }
0xab: {  	[dreg:$0x4] =	wrdreg $0xC0  }
0xac: {  	_ =	task [dreg:s8], $0x5FFFF  }
0xad: {  	[dreg:$0x1] =	wrdreg $0xFFFFFFFF  }
0xae: {  	[dreg:$0x0] =	wrdreg $0x60  }
0xaf: {  	[dreg:$0x2] =	wrdreg s2  }
0xb0: {  	[dreg:$0x3] =	wrdreg s18  }
0xb1: {  	[dreg:$0x4] =	wrdreg s24  }
0xb2: {  	[dreg:$0x5] =	wrdreg $0x9  }
0xb3: {  	_ =	task.clear_ibuf [dreg:s8], $0x6FFFF;
	_ =	strace $0x90000046  }
0xb4: {  	s29 =	simm.s32 $0x9;
	_ =	strace $0x80000048  }
0xb5: {  	_ =	swait.ge [sflag:s29], $0x1  }
0xb6: {  	[sflag:s29] =	ssyncadd.s32 $0xFFFFFFFF  }
0xb7: {  	_ =	strace $0x90000048  }
0xb8: {  	_ =	sfence  }
0xb9: {  	s30 =	sld [smem:$0x0];
	_ =	sdelay $0x2  }
0xba: {  	s31 =	sshll.u32 s1, $0xD;
	s1 =	sshrl.u32 s1, $0x2  }
0xbb: {  	s3 =	sand.u32 $0x4000, s31;
	s1 =	sadd.s32 s1, s30  }
0xbc: {  	s0 =	sor.u32 s3, s0;
	s1 =	sshll.u32 s1, $0x11  }
0xbd: {  	s0 =	sor.u32 s1, s0  }
0xbe: {  	s0 =	sadd.s32 $0x8F2B, s0  }
0xbf: {  	[sflag:s0] =	ssyncadd.remote.s32 $0x1  }
0xc0: {  	_ =	sfence.sel $0xFFFF  }
0xc1: {  	[dreg:$0x0] =	wrdreg $0xFFFFFFFF;
	(pc) =	sbr.abs _section_cstart, $3  }
0xc2: {  	[dreg:$0x1] =	wrdreg $0xFFFFFFFF  }
0xc3: {  	_ =	task.clear_ibuf [dreg:s8], $0x2FFFF;
	_ =	strace $0x9FFFFFFF  }
0xc4: {  	(tm) =	ssettm $0x7FFFFFFF  }
0xc5: {  	_ =	shalt  }
tec
execute0_lowered:
.L_overlay_start_1:
0x0: {  	(tag) =	ssettag $0x1  }
0x1: {  	s2 =	srdreg.scid  }
0x2: {  	s0 =	stileid.u32;
	s1 =	rddreg [dreg:$0x0]  }
0x3: {  	s3 =	rddreg [dreg:$0x1];
	s2 =	sand.u32 $0x1, s2;
	s4 =	sshll.u32 s0, $0x1  }
0x4: {  	s6 =	rddreg [dreg:$0x2];
	s5 =	sor.u32 s2, s4;
	s4 =	simm.s32 $0x0  }
0x5: {  	s10 =	simm.s32 $0x900;
	[smem:$0x7FF] =	sst s4  }
0x6: {  	s11 =	simm.s32 $0x1100;
	_ =	strace $0x80000047;
	[dreg:$0x7] =	wrdreg s10  }
0x7: {  	s12 =	simm.s32 $0x1900;
	[dreg:$0x8] =	wrdreg s11  }
0x8: {  	s13 =	simm.s32 $0x2100;
	[dreg:$0x9] =	wrdreg s12  }
0x9: {  	s14 =	simm.s32 $0x2900;
	[dreg:$0xa] =	wrdreg s13  }
0xa: {  	s15 =	simm.s32 $0x3100;
	[dreg:$0xb] =	wrdreg s14  }
0xb: {  	s16 =	simm.s32 $0x3900;
	[dreg:$0xc] =	wrdreg s15  }
0xc: {  	s17 =	simm.s32 $0x4100;
	[dreg:$0xd] =	wrdreg s16  }
0xd: {  	s18 =	simm.s32 $0x4900;
	[dreg:$0xe] =	wrdreg s17  }
0xe: {  	s19 =	simm.s32 $0x5100;
	[dreg:$0xf] =	wrdreg s18  }
0xf: {  	s20 =	simm.s32 $0x5900;
	[dreg:$0x10] =	wrdreg s19  }
0x10: {  	s21 =	simm.s32 $0x6100;
	[dreg:$0x11] =	wrdreg s20  }
0x11: {  	s22 =	simm.s32 $0x6900;
	[dreg:$0x12] =	wrdreg s21  }
0x12: {  	s23 =	simm.s32 $0x7100;
	[dreg:$0x13] =	wrdreg s22  }
0x13: {  	s24 =	simm.s32 $0x7900;
	[dreg:$0x14] =	wrdreg s23  }
0x14: {  	s25 =	simm.s32 $0x8100;
	[dreg:$0x15] =	wrdreg s24  }
0x15: {  	s26 =	simm.s32 $0x8900;
	[dreg:$0x16] =	wrdreg s25  }
0x16: {  	s0 =	simm.s32 $0x9100;
	[dreg:$0x17] =	wrdreg s26  }
0x17: {  	[dreg:$0x18] =	wrdreg s0;
	s10 =	simm.s32 $0xB900  }
0x18: {  	s11 =	simm.s32 $0xC100;
	[dreg:$0x1d] =	wrdreg s10  }
0x19: {  	s28 =	simm.s32 $0x1C900;
	s12 =	simm.s32 $0xC900;
	[dreg:$0x1e] =	wrdreg s11  }
0x1a: {  	s29 =	simm.s32 $0x1D100;
	s13 =	simm.s32 $0xD100;
	[dreg:$0x1f] =	wrdreg s12  }
0x1b: {  	s30 =	simm.s32 $0x1D900;
	s14 =	simm.s32 $0xD900;
	[smem:$0x7F1] =	sst s13  }
0x1c: {  	s31 =	simm.s32 $0x1;
	s15 =	simm.s32 $0xE100;
	[smem:$0x7F2] =	sst s14  }
0x1d: {  	s2 =	ssub.s32 $0x2, s2;
	s16 =	simm.s32 $0xE900;
	[smem:$0x7F3] =	sst s15  }
0x1e: {  	s7 =	smul.u32 $0x14, s5;
	s17 =	simm.s32 $0xF100;
	[smem:$0x7F4] =	sst s16  }
0x1f: {  	s8 =	smul.u32 $0x2800, s5;
	s18 =	simm.s32 $0xF900;
	[smem:$0x7F5] =	sst s17  }
0x20: {  	s5 =	smul.u32 $0x1400, s5;
	s19 =	simm.s32 $0x10100;
	[smem:$0x7F6] =	sst s18  }
0x21: {  	s20 =	sshrl.u32 s2, $0x1;
	s21 =	simm.s32 $0x10900;
	[smem:$0x7F7] =	sst s19  }
0x22: {  	s22 =	simm.s32 $0x11100;
	s23 =	simm.s32 $0x11900;
	[smem:$0x7F8] =	sst s21  }
0x23: {  	s24 =	simm.s32 $0x12100;
	s25 =	simm.s32 $0x12900;
	[smem:$0x7F9] =	sst s22  }
0x24: {  	s26 =	simm.s32 $0x13100;
	s7 =	sadd.s32 s7, s6;
	[smem:$0x7FA] =	sst s23  }
0x25: {  	s8 =	sadd.s32 s8, s6;
	s5 =	sadd.s32 s5, s6;
	[smem:$0x7FB] =	sst s24  }
0x26: {  	s6 =	simm.s32 $0x9900;
	s2 =	ssub.s32 s2, s20;
	[smem:$0x7FC] =	sst s25  }
0x27: {  	[smem:$0x7FD] =	sst s26;
	s10 =	simm.s32 $0x14100;
	s11 =	simm.s32 $0x14900  }
0x28: {  	s12 =	simm.s32 $0x15100;
	s13 =	simm.s32 $0x15900;
	s14 =	simm.s32 $0x16100  }
0x29: {  	s15 =	simm.s32 $0x16900;
	s16 =	simm.s32 $0x17100;
	s17 =	simm.s32 $0x17900  }
0x2a: {  	s18 =	simm.s32 $0x18100;
	s19 =	simm.s32 $0x18900;
	s20 =	simm.s32 $0x19100  }
0x2b: {  	s21 =	simm.s32 $0x19900;
	s22 =	simm.s32 $0x1A100;
	s23 =	simm.s32 $0x1A900  }
0x2c: {  	s24 =	simm.s32 $0x1B100;
	s7 =	sadd.s32 $0xDA00, s7;
	[dreg:$0x19] =	wrdreg s6  }
0x2d: {  	s25 =	simm.s32 $0x1B900;
	s9 =	sadd.s32 $0xDE00, s8;
	[dreg:$0x4] =	wrdreg s7  }
0x2e: {  	s26 =	simm.s32 $0x1C100;
	s5 =	sadd.s32 $0x5DE00, s5;
	[dreg:$0x5] =	wrdreg s9  }
0x2f: {  	s8 =	simm.s32 $0xA900;
	s6 =	smax.u32 s2, $0x1;
	[dreg:$0x6] =	wrdreg s5  }
0x30: {  	v2 =	vlaneseq.u32;
	s2 =	simm.s32 $0x2;
	s7 =	simm.s32 $0xA100;
	[dreg:$0x1b] =	wrdreg s8  }
0x31: {  	vm0 =	vmmov $0xffff;
	v1 =	vshrl.u32 v2, $0x3;
	s9 =	simm.s32 $0xB100;
	s5 =	sadd.s32 $0x100, s1;
	[dreg:$0x1a] =	wrdreg s7  }
0x32: {  	v0 =	vand.u32 $0x7, v2;
	v2 =	vor.u32 $0x8, v2;
	v1 =	vmul.u32 $0x8, v1;
	s8 =	simm.s32 $0x100;
	[dreg:$0x1c] =	wrdreg s9;
	s7 =	simm.s32 $0x3  }
.LBB2_1:
0x33: {  	s0 =	rddreg [dreg:$0x4]  }
0x34: {  	[tilespmem:s4], [sflag:$0x3] =	stream.linear.gather [hbm4b:s0+s4], $0xA0, $0x38;
	[tilespmem:$0x1E100] =	vst v63  }
0x35: {  	_ =	swait.ge [sflag:s7], $0xA0  }
0x36: {  	[sflag:s7] =	ssyncset.done $0x0  }
0x37: {  	[sflag:s7] =	ssyncadd.s32 $0xFFFFFF60  }
0x38: {  	v3 =	vld [tilespmem:$0x0];
	_ =	sdelay $0x4  }
0x39: {  	v4 =	vshll.u32 v3, $0x2  }
0x3a: {  	v3 =	vand.u32 $0x7, v3;
	v4 =	vand.u32 $0xFFFFFFE0, v4  }
0x3b: {  	v3 =	vor.u32 v3, v4  }
0x3c: {  	v4 =	vperm.xlane v3, v0;
	_ =	sdelay $0x1  }
0x3d: {  	v4 =	vadd.s32 v1, v4;
	_ =	sdelay $0x1  }
0x3e: {  	v3 =	vperm.xlane v3, v2;
	_ =	sdelay $0x1  }
0x3f: {  	v3 =	vadd.s32 v1, v3  }
0x40: {  	[tilespmem:s8], [sflag:$0x1] =	stream.indirect_vreg.gather [hbm4b:s1+s4], $0x80, v4, vm0, $0xb8;
	[tilespmem:$0x1E100] =	vst v63  }
0x41: {  	s0 =	rddreg [dreg:$0x7]  }
0x42: {  	[tilespmem:s0], [sflag:$0x1] =	stream.indirect_vreg.gather [hbm4b:s5+s4], $0x80, v4, vm0, $0xb8;
	[tilespmem:$0x1E100] =	vst v63  }
0x43: {  	s9 =	rddreg [dreg:$0x8]  }
0x44: {  	[tilespmem:s9], [sflag:$0x1] =	stream.indirect_vreg.gather [hbm4b:s1+s4], $0x80, v3, vm0, $0xb8;
	[tilespmem:$0x1E100] =	vst v63  }
0x45: {  	s0 =	rddreg [dreg:$0x9]  }
0x46: {  	[tilespmem:s0], [sflag:$0x1] =	stream.indirect_vreg.gather [hbm4b:s5+s4], $0x80, v3, vm0, $0xb8;
	[tilespmem:$0x1E100] =	vst v63  }
0x47: {  	v3 =	vld [tilespmem:$0x10];
	_ =	sdelay $0x4  }
0x48: {  	v45 =	vshll.u32 v3, $0x2  }
0x49: {  	v3 =	vand.u32 $0x7, v3;
	v4 =	vand.u32 $0xFFFFFFE0, v45  }
0x4a: {  	v3 =	vor.u32 v3, v4  }
0x4b: {  	v4 =	vperm.xlane v3, v0;
	_ =	sdelay $0x1  }
0x4c: {  	v4 =	vadd.s32 v1, v4;
	_ =	sdelay $0x1  }
0x4d: {  	v3 =	vperm.xlane v3, v2;
	_ =	sdelay $0x1  }
0x4e: {  	s0 =	rddreg [dreg:$0xa];
	v3 =	vadd.s32 v1, v3  }
0x4f: {  	[tilespmem:s0], [sflag:$0x1] =	stream.indirect_vreg.gather [hbm4b:s1+s4], $0x80, v4, vm0, $0xb8;
	[tilespmem:$0x1E100] =	vst v63  }
0x50: {  	s9 =	rddreg [dreg:$0xb]  }
0x51: {  	[tilespmem:s9], [sflag:$0x1] =	stream.indirect_vreg.gather [hbm4b:s5+s4], $0x80, v4, vm0, $0xb8;
	[tilespmem:$0x1E100] =	vst v63  }
0x52: {  	s0 =	rddreg [dreg:$0xc]  }
0x53: {  	[tilespmem:s0], [sflag:$0x1] =	stream.indirect_vreg.gather [hbm4b:s1+s4], $0x80, v3, vm0, $0xb8;
	[tilespmem:$0x1E100] =	vst v63  }
0x54: {  	s9 =	rddreg [dreg:$0xd]  }
0x55: {  	[tilespmem:s9], [sflag:$0x1] =	stream.indirect_vreg.gather [hbm4b:s5+s4], $0x80, v3, vm0, $0xb8;
	[tilespmem:$0x1E100] =	vst v63  }
0x56: {  	v3 =	vld [tilespmem:$0x20];
	_ =	sdelay $0x4  }
0x57: {  	v46 =	vshll.u32 v3, $0x2  }
0x58: {  	v3 =	vand.u32 $0x7, v3;
	v4 =	vand.u32 $0xFFFFFFE0, v46  }
0x59: {  	v3 =	vor.u32 v3, v4  }
0x5a: {  	v4 =	vperm.xlane v3, v0;
	_ =	sdelay $0x1  }
0x5b: {  	v4 =	vadd.s32 v1, v4;
	_ =	sdelay $0x1  }
0x5c: {  	v3 =	vperm.xlane v3, v2;
	_ =	sdelay $0x1  }
0x5d: {  	s0 =	rddreg [dreg:$0xe];
	v3 =	vadd.s32 v1, v3  }
0x5e: {  	[tilespmem:s0], [sflag:$0x1] =	stream.indirect_vreg.gather [hbm4b:s1+s4], $0x80, v4, vm0, $0xb8;
	[tilespmem:$0x1E100] =	vst v63  }
0x5f: {  	s9 =	rddreg [dreg:$0xf]  }
0x60: {  	[tilespmem:s9], [sflag:$0x1] =	stream.indirect_vreg.gather [hbm4b:s5+s4], $0x80, v4, vm0, $0xb8;
	[tilespmem:$0x1E100] =	vst v63  }
0x61: {  	s0 =	rddreg [dreg:$0x10]  }
0x62: {  	[tilespmem:s0], [sflag:$0x1] =	stream.indirect_vreg.gather [hbm4b:s1+s4], $0x80, v3, vm0, $0xb8;
	[tilespmem:$0x1E100] =	vst v63  }
0x63: {  	s9 =	rddreg [dreg:$0x11]  }
0x64: {  	[tilespmem:s9], [sflag:$0x1] =	stream.indirect_vreg.gather [hbm4b:s5+s4], $0x80, v3, vm0, $0xb8;
	[tilespmem:$0x1E100] =	vst v63  }
0x65: {  	v3 =	vld [tilespmem:$0x30];
	_ =	sdelay $0x4  }
0x66: {  	v47 =	vshll.u32 v3, $0x2  }
0x67: {  	v3 =	vand.u32 $0x7, v3;
	v4 =	vand.u32 $0xFFFFFFE0, v47  }
0x68: {  	v3 =	vor.u32 v3, v4  }
0x69: {  	v4 =	vperm.xlane v3, v0;
	_ =	sdelay $0x1  }
0x6a: {  	v4 =	vadd.s32 v1, v4;
	_ =	sdelay $0x1  }
0x6b: {  	v3 =	vperm.xlane v3, v2;
	_ =	sdelay $0x1  }
0x6c: {  	s0 =	rddreg [dreg:$0x12];
	v3 =	vadd.s32 v1, v3  }
0x6d: {  	[tilespmem:s0], [sflag:$0x1] =	stream.indirect_vreg.gather [hbm4b:s1+s4], $0x80, v4, vm0, $0xb8;
	[tilespmem:$0x1E100] =	vst v63  }
0x6e: {  	s9 =	rddreg [dreg:$0x13]  }
0x6f: {  	[tilespmem:s9], [sflag:$0x1] =	stream.indirect_vreg.gather [hbm4b:s5+s4], $0x80, v4, vm0, $0xb8;
	[tilespmem:$0x1E100] =	vst v63  }
0x70: {  	s0 =	rddreg [dreg:$0x14]  }
0x71: {  	[tilespmem:s0], [sflag:$0x1] =	stream.indirect_vreg.gather [hbm4b:s1+s4], $0x80, v3, vm0, $0xb8;
	[tilespmem:$0x1E100] =	vst v63  }
0x72: {  	s9 =	rddreg [dreg:$0x15]  }
0x73: {  	[tilespmem:s9], [sflag:$0x1] =	stream.indirect_vreg.gather [hbm4b:s5+s4], $0x80, v3, vm0, $0xb8;
	[tilespmem:$0x1E100] =	vst v63  }
0x74: {  	v3 =	vld [tilespmem:$0x40];
	_ =	sdelay $0x4  }
0x75: {  	v48 =	vshll.u32 v3, $0x2  }
0x76: {  	v3 =	vand.u32 $0x7, v3;
	v4 =	vand.u32 $0xFFFFFFE0, v48  }
0x77: {  	v3 =	vor.u32 v3, v4  }
0x78: {  	v4 =	vperm.xlane v3, v0;
	_ =	sdelay $0x1  }
0x79: {  	v4 =	vadd.s32 v1, v4;
	_ =	sdelay $0x1  }
0x7a: {  	v3 =	vperm.xlane v3, v2;
	_ =	sdelay $0x1  }
0x7b: {  	s0 =	rddreg [dreg:$0x16];
	v3 =	vadd.s32 v1, v3  }
0x7c: {  	[tilespmem:s0], [sflag:$0x1] =	stream.indirect_vreg.gather [hbm4b:s1+s4], $0x80, v4, vm0, $0xb8;
	[tilespmem:$0x1E100] =	vst v63  }
0x7d: {  	s9 =	rddreg [dreg:$0x17]  }
0x7e: {  	[tilespmem:s9], [sflag:$0x1] =	stream.indirect_vreg.gather [hbm4b:s5+s4], $0x80, v4, vm0, $0xb8;
	[tilespmem:$0x1E100] =	vst v63  }
0x7f: {  	s0 =	rddreg [dreg:$0x18]  }
0x80: {  	[tilespmem:s0], [sflag:$0x1] =	stream.indirect_vreg.gather [hbm4b:s1+s4], $0x80, v3, vm0, $0xb8;
	[tilespmem:$0x1E100] =	vst v63  }
0x81: {  	s9 =	rddreg [dreg:$0x19]  }
0x82: {  	[tilespmem:s9], [sflag:$0x1] =	stream.indirect_vreg.gather [hbm4b:s5+s4], $0x80, v3, vm0, $0xb8;
	[tilespmem:$0x1E100] =	vst v63  }
0x83: {  	v3 =	vld [tilespmem:$0x50];
	_ =	sdelay $0x4  }
0x84: {  	v49 =	vshll.u32 v3, $0x2  }
0x85: {  	v3 =	vand.u32 $0x7, v3;
	v4 =	vand.u32 $0xFFFFFFE0, v49  }
0x86: {  	v3 =	vor.u32 v3, v4  }
0x87: {  	v4 =	vperm.xlane v3, v0;
	_ =	sdelay $0x1  }
0x88: {  	v4 =	vadd.s32 v1, v4;
	_ =	sdelay $0x1  }
0x89: {  	v3 =	vperm.xlane v3, v2;
	_ =	sdelay $0x1  }
0x8a: {  	s0 =	rddreg [dreg:$0x1a];
	v3 =	vadd.s32 v1, v3  }
0x8b: {  	[tilespmem:s0], [sflag:$0x1] =	stream.indirect_vreg.gather [hbm4b:s1+s4], $0x80, v4, vm0, $0xb8;
	[tilespmem:$0x1E100] =	vst v63  }
0x8c: {  	s9 =	rddreg [dreg:$0x1b]  }
0x8d: {  	[tilespmem:s9], [sflag:$0x1] =	stream.indirect_vreg.gather [hbm4b:s5+s4], $0x80, v4, vm0, $0xb8;
	[tilespmem:$0x1E100] =	vst v63  }
0x8e: {  	s0 =	rddreg [dreg:$0x1c]  }
0x8f: {  	[tilespmem:s0], [sflag:$0x1] =	stream.indirect_vreg.gather [hbm4b:s1+s4], $0x80, v3, vm0, $0xb8;
	[tilespmem:$0x1E100] =	vst v63  }
0x90: {  	s9 =	rddreg [dreg:$0x1d]  }
0x91: {  	[tilespmem:s9], [sflag:$0x1] =	stream.indirect_vreg.gather [hbm4b:s5+s4], $0x80, v3, vm0, $0xb8;
	[tilespmem:$0x1E100] =	vst v63  }
0x92: {  	v3 =	vld [tilespmem:$0x60];
	_ =	sdelay $0x4  }
0x93: {  	v50 =	vshll.u32 v3, $0x2  }
0x94: {  	v3 =	vand.u32 $0x7, v3;
	v4 =	vand.u32 $0xFFFFFFE0, v50  }
0x95: {  	v3 =	vor.u32 v3, v4  }
0x96: {  	v4 =	vperm.xlane v3, v0;
	_ =	sdelay $0x1  }
0x97: {  	v4 =	vadd.s32 v1, v4;
	_ =	sdelay $0x1  }
0x98: {  	v3 =	vperm.xlane v3, v2  }
0x99: {  	s0 =	rddreg [dreg:$0x1e]  }
0x9a: {  	s9 =	rddreg [dreg:$0x1f];
	v3 =	vadd.s32 v1, v3  }
0x9b: {  	[tilespmem:s0], [sflag:$0x1] =	stream.indirect_vreg.gather [hbm4b:s1+s4], $0x80, v4, vm0, $0xb8;
	[tilespmem:$0x1E100] =	vst v63  }
0x9c: {  	s0 =	sld [smem:$0x7F1]  }
0x9d: {  	[tilespmem:s9], [sflag:$0x1] =	stream.indirect_vreg.gather [hbm4b:s5+s4], $0x80, v4, vm0, $0xb8;
	[tilespmem:$0x1E100] =	vst v63  }
0x9e: {  	s9 =	sld [smem:$0x7F2]  }
0x9f: {  	[tilespmem:s0], [sflag:$0x1] =	stream.indirect_vreg.gather [hbm4b:s1+s4], $0x80, v3, vm0, $0xb8;
	[tilespmem:$0x1E100] =	vst v63  }
0xa0: {  	_ = 	snop  }
0xa1: {  	[tilespmem:s9], [sflag:$0x1] =	stream.indirect_vreg.gather [hbm4b:s5+s4], $0x80, v3, vm0, $0xb8;
	[tilespmem:$0x1E100] =	vst v63  }
0xa2: {  	v3 =	vld [tilespmem:$0x70];
	_ =	sdelay $0x4  }
0xa3: {  	v51 =	vshll.u32 v3, $0x2  }
0xa4: {  	v3 =	vand.u32 $0x7, v3;
	v4 =	vand.u32 $0xFFFFFFE0, v51  }
0xa5: {  	v3 =	vor.u32 v3, v4  }
0xa6: {  	v4 =	vperm.xlane v3, v0;
	_ =	sdelay $0x1  }
0xa7: {  	v4 =	vadd.s32 v1, v4;
	_ =	sdelay $0x1  }
0xa8: {  	s0 =	sld [smem:$0x7F3];
	v3 =	vperm.xlane v3, v2;
	_ =	sdelay $0x1  }
0xa9: {  	s9 =	sld [smem:$0x7F4];
	v3 =	vadd.s32 v1, v3  }
0xaa: {  	[tilespmem:s0], [sflag:$0x1] =	stream.indirect_vreg.gather [hbm4b:s1+s4], $0x80, v4, vm0, $0xb8;
	[tilespmem:$0x1E100] =	vst v63  }
0xab: {  	s0 =	sld [smem:$0x7F5]  }
0xac: {  	[tilespmem:s9], [sflag:$0x1] =	stream.indirect_vreg.gather [hbm4b:s5+s4], $0x80, v4, vm0, $0xb8;
	[tilespmem:$0x1E100] =	vst v63  }
0xad: {  	s9 =	sld [smem:$0x7F6]  }
0xae: {  	[tilespmem:s0], [sflag:$0x1] =	stream.indirect_vreg.gather [hbm4b:s1+s4], $0x80, v3, vm0, $0xb8;
	[tilespmem:$0x1E100] =	vst v63  }
0xaf: {  	_ = 	snop  }
0xb0: {  	[tilespmem:s9], [sflag:$0x1] =	stream.indirect_vreg.gather [hbm4b:s5+s4], $0x80, v3, vm0, $0xb8;
	[tilespmem:$0x1E100] =	vst v63  }
0xb1: {  	v3 =	vld [tilespmem:$0x80];
	_ =	sdelay $0x4  }
0xb2: {  	v52 =	vshll.u32 v3, $0x2  }
0xb3: {  	v3 =	vand.u32 $0x7, v3;
	v4 =	vand.u32 $0xFFFFFFE0, v52  }
0xb4: {  	v3 =	vor.u32 v3, v4  }
0xb5: {  	v4 =	vperm.xlane v3, v0;
	_ =	sdelay $0x1  }
0xb6: {  	v4 =	vadd.s32 v1, v4;
	_ =	sdelay $0x1  }
0xb7: {  	s0 =	sld [smem:$0x7F7];
	v3 =	vperm.xlane v3, v2;
	_ =	sdelay $0x1  }
0xb8: {  	s9 =	sld [smem:$0x7F8];
	v3 =	vadd.s32 v1, v3  }
0xb9: {  	[tilespmem:s0], [sflag:$0x1] =	stream.indirect_vreg.gather [hbm4b:s1+s4], $0x80, v4, vm0, $0xb8;
	[tilespmem:$0x1E100] =	vst v63  }
0xba: {  	s0 =	sld [smem:$0x7F9]  }
0xbb: {  	[tilespmem:s9], [sflag:$0x1] =	stream.indirect_vreg.gather [hbm4b:s5+s4], $0x80, v4, vm0, $0xb8;
	[tilespmem:$0x1E100] =	vst v63  }
0xbc: {  	s9 =	sld [smem:$0x7FA]  }
0xbd: {  	[tilespmem:s0], [sflag:$0x1] =	stream.indirect_vreg.gather [hbm4b:s1+s4], $0x80, v3, vm0, $0xb8;
	[tilespmem:$0x1E100] =	vst v63  }
0xbe: {  	_ = 	snop  }
0xbf: {  	[tilespmem:s9], [sflag:$0x1] =	stream.indirect_vreg.gather [hbm4b:s5+s4], $0x80, v3, vm0, $0xb8;
	[tilespmem:$0x1E100] =	vst v63  }
0xc0: {  	v3 =	vld [tilespmem:$0x90];
	_ =	sdelay $0x4  }
0xc1: {  	v53 =	vshll.u32 v3, $0x2  }
0xc2: {  	v3 =	vand.u32 $0x7, v3;
	v4 =	vand.u32 $0xFFFFFFE0, v53  }
0xc3: {  	v3 =	vor.u32 v3, v4  }
0xc4: {  	v4 =	vperm.xlane v3, v0;
	_ =	sdelay $0x1  }
0xc5: {  	v4 =	vadd.s32 v1, v4;
	_ =	sdelay $0x1  }
0xc6: {  	s0 =	sld [smem:$0x7FB];
	v3 =	vperm.xlane v3, v2;
	_ =	sdelay $0x1  }
0xc7: {  	s9 =	sld [smem:$0x7FC];
	v3 =	vadd.s32 v1, v3  }
0xc8: {  	[tilespmem:s0], [sflag:$0x1] =	stream.indirect_vreg.gather [hbm4b:s1+s4], $0x80, v4, vm0, $0xb8;
	[tilespmem:$0x1E100] =	vst v63  }
0xc9: {  	s0 =	sld [smem:$0x7FD]  }
0xca: {  	[tilespmem:s9], [sflag:$0x1] =	stream.indirect_vreg.gather [hbm4b:s5+s4], $0x80, v4, vm0, $0xb8;
	[tilespmem:$0x1E100] =	vst v63  }
0xcb: {  	_ = 	snop  }
0xcc: {  	[tilespmem:s0], [sflag:$0x1] =	stream.indirect_vreg.gather [hbm4b:s1+s4], $0x80, v3, vm0, $0xb8;
	[tilespmem:$0x1E100] =	vst v63  }
0xcd: {  	s9 =	simm.s32 $0x13900  }
0xce: {  	[tilespmem:s9], [sflag:$0x1] =	stream.indirect_vreg.gather [hbm4b:s5+s4], $0x80, v3, vm0, $0xb8;
	[tilespmem:$0x1E100] =	vst v63  }
0xcf: {  	v3 =	vld [tilespmem:$0x0];
	_ =	sdelay $0x4  }
0xd0: {  	v54 =	vshll.u32 v3, $0x1  }
0xd1: {  	v3 =	vand.u32 $0x7, v3;
	v4 =	vand.u32 $0xFFFFFFF0, v54  }
0xd2: {  	v3 =	vor.u32 v3, v4  }
0xd3: {  	v4 =	vperm.xlane v3, v0;
	_ =	sdelay $0x1  }
0xd4: {  	v3 =	vperm.xlane v3, v2;
	v4 =	vadd.s32 v1, v4;
	_ =	sdelay $0x1  }
0xd5: {  	v3 =	vadd.s32 v1, v3;
	_ =	sdelay $0x2  }
0xd6: {  	[tilespmem:s10], [sflag:$0x2] =	stream.indirect_vreg.gather [hbm4b:s3+s4], $0x80, v4, vm0, $0xb8;
	[tilespmem:$0x1E100] =	vst v63  }
0xd7: {  	_ = 	snop  }
0xd8: {  	[tilespmem:s11], [sflag:$0x2] =	stream.indirect_vreg.gather [hbm4b:s3+s4], $0x80, v3, vm0, $0xb8;
	[tilespmem:$0x1E100] =	vst v63  }
0xd9: {  	v3 =	vld [tilespmem:$0x10];
	_ =	sdelay $0x4  }
0xda: {  	v55 =	vshll.u32 v3, $0x1  }
0xdb: {  	v3 =	vand.u32 $0x7, v3;
	v4 =	vand.u32 $0xFFFFFFF0, v55  }
0xdc: {  	v3 =	vor.u32 v3, v4  }
0xdd: {  	v4 =	vperm.xlane v3, v0;
	_ =	sdelay $0x1  }
0xde: {  	v3 =	vperm.xlane v3, v2;
	v4 =	vadd.s32 v1, v4;
	_ =	sdelay $0x1  }
0xdf: {  	v3 =	vadd.s32 v1, v3;
	_ =	sdelay $0x2  }
0xe0: {  	[tilespmem:s12], [sflag:$0x2] =	stream.indirect_vreg.gather [hbm4b:s3+s4], $0x80, v4, vm0, $0xb8;
	[tilespmem:$0x1E100] =	vst v63  }
0xe1: {  	_ = 	snop  }
0xe2: {  	[tilespmem:s13], [sflag:$0x2] =	stream.indirect_vreg.gather [hbm4b:s3+s4], $0x80, v3, vm0, $0xb8;
	[tilespmem:$0x1E100] =	vst v63  }
0xe3: {  	v3 =	vld [tilespmem:$0x20];
	_ =	sdelay $0x4  }
0xe4: {  	v56 =	vshll.u32 v3, $0x1  }
0xe5: {  	v3 =	vand.u32 $0x7, v3;
	v4 =	vand.u32 $0xFFFFFFF0, v56  }
0xe6: {  	v3 =	vor.u32 v3, v4  }
0xe7: {  	v4 =	vperm.xlane v3, v0;
	_ =	sdelay $0x1  }
0xe8: {  	v3 =	vperm.xlane v3, v2;
	v4 =	vadd.s32 v1, v4;
	_ =	sdelay $0x1  }
0xe9: {  	v3 =	vadd.s32 v1, v3;
	_ =	sdelay $0x2  }
0xea: {  	[tilespmem:s14], [sflag:$0x2] =	stream.indirect_vreg.gather [hbm4b:s3+s4], $0x80, v4, vm0, $0xb8;
	[tilespmem:$0x1E100] =	vst v63  }
0xeb: {  	_ = 	snop  }
0xec: {  	[tilespmem:s15], [sflag:$0x2] =	stream.indirect_vreg.gather [hbm4b:s3+s4], $0x80, v3, vm0, $0xb8;
	[tilespmem:$0x1E100] =	vst v63  }
0xed: {  	v3 =	vld [tilespmem:$0x30];
	_ =	sdelay $0x4  }
0xee: {  	v57 =	vshll.u32 v3, $0x1  }
0xef: {  	v3 =	vand.u32 $0x7, v3;
	v4 =	vand.u32 $0xFFFFFFF0, v57  }
0xf0: {  	v3 =	vor.u32 v3, v4  }
0xf1: {  	v4 =	vperm.xlane v3, v0;
	_ =	sdelay $0x1  }
0xf2: {  	v3 =	vperm.xlane v3, v2;
	v4 =	vadd.s32 v1, v4;
	_ =	sdelay $0x1  }
0xf3: {  	v3 =	vadd.s32 v1, v3;
	_ =	sdelay $0x2  }
0xf4: {  	[tilespmem:s16], [sflag:$0x2] =	stream.indirect_vreg.gather [hbm4b:s3+s4], $0x80, v4, vm0, $0xb8;
	[tilespmem:$0x1E100] =	vst v63  }
0xf5: {  	_ = 	snop  }
0xf6: {  	[tilespmem:s17], [sflag:$0x2] =	stream.indirect_vreg.gather [hbm4b:s3+s4], $0x80, v3, vm0, $0xb8;
	[tilespmem:$0x1E100] =	vst v63  }
0xf7: {  	v3 =	vld [tilespmem:$0x40];
	_ =	sdelay $0x4  }
0xf8: {  	v58 =	vshll.u32 v3, $0x1  }
0xf9: {  	v3 =	vand.u32 $0x7, v3;
	v4 =	vand.u32 $0xFFFFFFF0, v58  }
0xfa: {  	v3 =	vor.u32 v3, v4  }
0xfb: {  	v4 =	vperm.xlane v3, v0;
	_ =	sdelay $0x1  }
0xfc: {  	v3 =	vperm.xlane v3, v2;
	v4 =	vadd.s32 v1, v4;
	_ =	sdelay $0x1  }
0xfd: {  	v3 =	vadd.s32 v1, v3;
	_ =	sdelay $0x2  }
0xfe: {  	[tilespmem:s18], [sflag:$0x2] =	stream.indirect_vreg.gather [hbm4b:s3+s4], $0x80, v4, vm0, $0xb8;
	[tilespmem:$0x1E100] =	vst v63  }
0xff: {  	_ = 	snop  }
0x100: {  	[tilespmem:s19], [sflag:$0x2] =	stream.indirect_vreg.gather [hbm4b:s3+s4], $0x80, v3, vm0, $0xb8;
	[tilespmem:$0x1E100] =	vst v63  }
0x101: {  	v3 =	vld [tilespmem:$0x50];
	_ =	sdelay $0x4  }
0x102: {  	v59 =	vshll.u32 v3, $0x1  }
0x103: {  	v3 =	vand.u32 $0x7, v3;
	v4 =	vand.u32 $0xFFFFFFF0, v59  }
0x104: {  	v3 =	vor.u32 v3, v4  }
0x105: {  	v4 =	vperm.xlane v3, v0;
	_ =	sdelay $0x1  }
0x106: {  	v3 =	vperm.xlane v3, v2;
	v4 =	vadd.s32 v1, v4;
	_ =	sdelay $0x1  }
0x107: {  	v3 =	vadd.s32 v1, v3;
	_ =	sdelay $0x2  }
0x108: {  	[tilespmem:s20], [sflag:$0x2] =	stream.indirect_vreg.gather [hbm4b:s3+s4], $0x80, v4, vm0, $0xb8;
	[tilespmem:$0x1E100] =	vst v63  }
0x109: {  	_ = 	snop  }
0x10a: {  	[tilespmem:s21], [sflag:$0x2] =	stream.indirect_vreg.gather [hbm4b:s3+s4], $0x80, v3, vm0, $0xb8;
	[tilespmem:$0x1E100] =	vst v63  }
0x10b: {  	v3 =	vld [tilespmem:$0x60];
	_ =	sdelay $0x4  }
0x10c: {  	v60 =	vshll.u32 v3, $0x1  }
0x10d: {  	v3 =	vand.u32 $0x7, v3;
	v4 =	vand.u32 $0xFFFFFFF0, v60  }
0x10e: {  	v3 =	vor.u32 v3, v4  }
0x10f: {  	v4 =	vperm.xlane v3, v0;
	_ =	sdelay $0x1  }
0x110: {  	v3 =	vperm.xlane v3, v2;
	v4 =	vadd.s32 v1, v4;
	_ =	sdelay $0x1  }
0x111: {  	v3 =	vadd.s32 v1, v3;
	_ =	sdelay $0x2  }
0x112: {  	[tilespmem:s22], [sflag:$0x2] =	stream.indirect_vreg.gather [hbm4b:s3+s4], $0x80, v4, vm0, $0xb8;
	[tilespmem:$0x1E100] =	vst v63  }
0x113: {  	_ = 	snop  }
0x114: {  	[tilespmem:s23], [sflag:$0x2] =	stream.indirect_vreg.gather [hbm4b:s3+s4], $0x80, v3, vm0, $0xb8;
	[tilespmem:$0x1E100] =	vst v63  }
0x115: {  	v3 =	vld [tilespmem:$0x70];
	_ =	sdelay $0x4  }
0x116: {  	v61 =	vshll.u32 v3, $0x1  }
0x117: {  	v3 =	vand.u32 $0x7, v3;
	v4 =	vand.u32 $0xFFFFFFF0, v61  }
0x118: {  	v3 =	vor.u32 v3, v4  }
0x119: {  	v4 =	vperm.xlane v3, v0;
	_ =	sdelay $0x1  }
0x11a: {  	v3 =	vperm.xlane v3, v2;
	v4 =	vadd.s32 v1, v4;
	_ =	sdelay $0x1  }
0x11b: {  	v3 =	vadd.s32 v1, v3;
	_ =	sdelay $0x2  }
0x11c: {  	[tilespmem:s24], [sflag:$0x2] =	stream.indirect_vreg.gather [hbm4b:s3+s4], $0x80, v4, vm0, $0xb8;
	[tilespmem:$0x1E100] =	vst v63  }
0x11d: {  	_ = 	snop  }
0x11e: {  	[tilespmem:s25], [sflag:$0x2] =	stream.indirect_vreg.gather [hbm4b:s3+s4], $0x80, v3, vm0, $0xb8;
	[tilespmem:$0x1E100] =	vst v63  }
0x11f: {  	v3 =	vld [tilespmem:$0x80];
	_ =	sdelay $0x4  }
0x120: {  	v62 =	vshll.u32 v3, $0x1  }
0x121: {  	v3 =	vand.u32 $0x7, v3;
	v4 =	vand.u32 $0xFFFFFFF0, v62  }
0x122: {  	v3 =	vor.u32 v3, v4  }
0x123: {  	v4 =	vperm.xlane v3, v0;
	_ =	sdelay $0x1  }
0x124: {  	v3 =	vperm.xlane v3, v2;
	v4 =	vadd.s32 v1, v4;
	_ =	sdelay $0x1  }
0x125: {  	v3 =	vadd.s32 v1, v3;
	_ =	sdelay $0x2  }
0x126: {  	[tilespmem:s26], [sflag:$0x2] =	stream.indirect_vreg.gather [hbm4b:s3+s4], $0x80, v4, vm0, $0xb8;
	[tilespmem:$0x1E100] =	vst v63  }
0x127: {  	_ = 	snop  }
0x128: {  	[tilespmem:s28], [sflag:$0x2] =	stream.indirect_vreg.gather [hbm4b:s3+s4], $0x80, v3, vm0, $0xb8;
	[tilespmem:$0x1E100] =	vst v63  }
0x129: {  	v3 =	vld [tilespmem:$0x90];
	_ =	sdelay $0x4  }
0x12a: {  	v63 =	vshll.u32 v3, $0x1  }
0x12b: {  	v3 =	vand.u32 $0x7, v3;
	v4 =	vand.u32 $0xFFFFFFF0, v63  }
0x12c: {  	v3 =	vor.u32 v3, v4  }
0x12d: {  	v4 =	vperm.xlane v3, v0;
	_ =	sdelay $0x1  }
0x12e: {  	v3 =	vperm.xlane v3, v2;
	v4 =	vadd.s32 v1, v4;
	_ =	sdelay $0x1  }
0x12f: {  	v3 =	vadd.s32 v1, v3;
	_ =	sdelay $0x2  }
0x130: {  	[tilespmem:s29], [sflag:$0x2] =	stream.indirect_vreg.gather [hbm4b:s3+s4], $0x80, v4, vm0, $0xb8;
	[tilespmem:$0x1E100] =	vst v63  }
0x131: {  	_ = 	snop  }
0x132: {  	[tilespmem:s30], [sflag:$0x2] =	stream.indirect_vreg.gather [hbm4b:s3+s4], $0x80, v3, vm0, $0xb8;
	[tilespmem:$0x1E100] =	vst v63  }
0x133: {  	_ =	swait.ge [sflag:s31], $0x14000  }
0x134: {  	[sflag:s31] =	ssyncset.done $0x0  }
0x135: {  	[sflag:s31] =	ssyncadd.s32 $0xFFFEC000  }
0x136: {  	_ =	swait.ge [sflag:s2], $0xA000  }
0x137: {  	[sflag:s2] =	ssyncset.done $0x0  }
0x138: {  	s9 =	rddreg [dreg:$0x5];
	[sflag:s2] =	ssyncadd.s32 $0xFFFF6000  }
0x139: {  	[hbm4b:s9+s4] =	stream.linear.scatter [tilespmem:s8], [sflag:$0x3], $0x14000, $0x38;
	[tilespmem:$0x1E100] =	vst v63  }
0x13a: {  	_ =	swait.ge [sflag:s7], $0x14000  }
0x13b: {  	p0 =	sne.s32 s6, $0x1;
	[sflag:s7] =	ssyncset.done $0x0  }
.Ltmp0:
0x13c: {  	s9 =	rddreg [dreg:$0x6];
	[sflag:s7] =	ssyncadd.s32 $0xFFFEC000;
	(pc) =	sbr.rel @p0 .LBB2_1-.Ltmp0, $4  }
0x13d: {  	[hbm4b:s9+s4] =	stream.linear.scatter [tilespmem:s10], [sflag:$0x3], $0xA000, $0x38;
	[tilespmem:$0x1E100] =	vst v63  }
0x13e: {  	_ =	swait.ge [sflag:s7], $0xA000  }
0x13f: {  	[sflag:s7] =	ssyncset.done $0x0  }
0x140: {  	s6 =	sadd.s32 $0xFFFFFFFF, s6;
	[sflag:s7] =	ssyncadd.s32 $0xFFFF6000  }
0x141: {  	_ =	sfence.sel $0x180000  }
0x142: {  	[bflag:$0x0] =	sbarrier.arrive $0xFFFF  }
0x143: {  	_ =	strace $0x90000047  }
0x144: {  	s0 =	stileid.u32;
	[bflag:$0x2] =	sbarrier.arrive $0xFFFF  }
0x145: {  	p0 =	sne.s32 s0, $0x0;
	s0 =	rddreg [dreg:$0x3]  }
0x146: {  	s0 =	sadd.s32 @!p0 $0x100000, s0  }
0x147: {  	[sflag:s0] =	ssyncadd.tile.s32 @!p0 $0x1;
	_ =	shalt  }
.Lfunc_end2:
_tile_overlayer_lowered:
.L_overlay_start_2:
0x148: {  	(tag) =	ssettag $0x2  }
0x149: {  	s0 =	rddreg [dreg:$0x0];
	s2 =	stileid.u32  }
0x14a: {  	s1 =	rddreg [dreg:$0x1];
	p0 =	sne.s32 s2, $0x0  }
0x14b: {  	s3 =	rddreg [dreg:$0x2];
	[bflag:$0x3] =	sbarrier.arrive $0xFFFF;
	s2 =	simm.s32 @!p0 $0x1C03  }
0x14c: {  	[timem:s3], [sflag:s2] =	dma.local @!p0 [hbm:s0], s1  }
0x14d: {  	s0 =	simm.s32 @!p0 $0x3  }
0x14e: {  	_ =	swait.ge @!p0 [sflag:s0], s1  }
0x14f: {  	s1 =	ssub.s32 @!p0 $0x0, s1;
	[sflag:s0] =	ssyncset.done @!p0 $0x0  }
0x150: {  	[sflag:s0] =	ssyncadd.s32 @!p0 s1  }
0x151: {  	[bflag:$0x3] =	sbarrier.arrive $0xFFFF  }
0x152: {  	_ =	shalt  }

</sc_bundles>
